<compile_context>
chip_gen: v7x
topology: tpu7x:2x2x1
jax: 0.10.2.dev20260603
libtpu: 0.0.44.dev20260713+nightly
codegen_flags: <defaults>
</compile_context>

<pallas_src>
import jax
import jax.numpy as jnp
from jax import lax
from jax.experimental import pallas as pl
from jax.experimental.pallas import tpu as pltpu
from jax.experimental.pallas import tpu_sc as plsc

N = 10000
E = 320000
DIN = 128
DH = 128
DOUT = 64
EPS = 1e-5
BN_SCALE = 1.0 / (1.0 + EPS) ** 0.5

NC = 2
NS = 16
NW = NC * NS
CH = 80
EPW = E // NW
NCHUNK = EPW // CH
SLAB = 624
SLAB_LAST = N - (NS - 1) * SLAB

_f32 = jnp.float32


def _sc_mesh():
    return plsc.VectorSubcoreMesh(
        core_axis_name="c", subcore_axis_name="s", num_cores=NC, num_subcores=NS
    )


def _make_segsum(with_counts):
    out_type = [jax.ShapeDtypeStruct((NC, N, DH), _f32)]
    scratch = [
        pltpu.VMEM((NCHUNK, CH), jnp.int32),
        pltpu.VMEM((NCHUNK, CH), jnp.int32),
        pltpu.VMEM((CH, DH), _f32),
        pltpu.VMEM_SHARED((N, DH), _f32),
        pltpu.SemaphoreType.DMA,
    ]
    if with_counts:
        out_type.append(jax.ShapeDtypeStruct((NC * N,), _f32))
        scratch += [
            pltpu.VMEM((CH,), _f32),
            pltpu.VMEM_SHARED((N,), _f32),
            pltpu.VMEM((N // 2,), _f32),
        ]

    def body(src_hbm, dst_hbm, tbl_hbm, zrows_hbm, zvec_hbm, s_out, *rest):
        if with_counts:
            cnt_out, idx_s, idx_d, rows, accum_sh, sem, ones, cnt_sh, stage = rest
        else:
            cnt_out, ones, cnt_sh, stage = None, None, None, None
            idx_s, idx_d, rows, accum_sh, sem = rest
        c = lax.axis_index("c")
        s = lax.axis_index("s")
        wid = c * NS + s
        slab0 = s * SLAB

        @pl.when(s < NS - 1)
        def _():
            pltpu.sync_copy(zrows_hbm.at[pl.ds(slab0, SLAB)],
                            accum_sh.at[pl.ds(slab0, SLAB)])

        @pl.when(s == NS - 1)
        def _():
            pltpu.sync_copy(zrows_hbm.at[pl.ds((NS - 1) * SLAB, SLAB_LAST)],
                            accum_sh.at[pl.ds((NS - 1) * SLAB, SLAB_LAST)])

        if with_counts:
            @pl.when(s < 2)
            def _():
                pltpu.sync_copy(zvec_hbm.at[pl.ds(s * (N // 2), N // 2)], stage)
                pltpu.sync_copy(stage, cnt_sh.at[pl.ds(s * (N // 2), N // 2)])
            for i in range(CH // 16):
                ones[pl.ds(i * 16, 16)] = jnp.ones((16,), _f32)

        pltpu.sync_copy(src_hbm.at[wid], idx_s)
        pltpu.sync_copy(dst_hbm.at[wid], idx_d)
        plsc.subcore_barrier()

        def chunk(j, carry):
            pltpu.async_copy(tbl_hbm.at[idx_s.at[j]], rows, sem).wait()
            pltpu.sync_copy(rows, accum_sh.at[idx_d.at[j]], add=True)
            if with_counts:
                pltpu.sync_copy(ones, cnt_sh.at[idx_d.at[j]], add=True)
            return carry

        lax.fori_loop(0, NCHUNK, chunk, 0)
        plsc.subcore_barrier()

        @pl.when(s < NS - 1)
        def _():
            pltpu.sync_copy(accum_sh.at[pl.ds(slab0, SLAB)],
                            s_out.at[c, pl.ds(slab0, SLAB)])

        @pl.when(s == NS - 1)
        def _():
            pltpu.sync_copy(accum_sh.at[pl.ds((NS - 1) * SLAB, SLAB_LAST)],
                            s_out.at[c, pl.ds((NS - 1) * SLAB, SLAB_LAST)])

        if with_counts:
            @pl.when(s < 2)
            def _():
                pltpu.sync_copy(cnt_sh.at[pl.ds(s * (N // 2), N // 2)], stage)
                pltpu.sync_copy(stage,
                                cnt_out.at[pl.ds(c * N + s * (N // 2), N // 2)])

    return pl.kernel(body, out_type=out_type, mesh=_sc_mesh(),
                     scratch_types=scratch)


def _make_pred_gather():
    out_type = [jax.ShapeDtypeStruct((E, DH), _f32),
                jax.ShapeDtypeStruct((E, DH), _f32)]
    scratch = [
        pltpu.VMEM((NCHUNK, CH), jnp.int32),
        pltpu.VMEM((NCHUNK, CH), jnp.int32),
        pltpu.VMEM((CH, DH), _f32),
        pltpu.VMEM((CH, DH), _f32),
        pltpu.SemaphoreType.DMA,
        pltpu.SemaphoreType.DMA,
    ]

    def body(ps_hbm, pd_hbm, u_hbm, v_hbm, tu_out, tv_out,
             idx_s, idx_d, bufs, bufd, sem0, sem1):
        c = lax.axis_index("c")
        s = lax.axis_index("s")
        wid = c * NS + s
        pltpu.sync_copy(ps_hbm.at[wid], idx_s)
        pltpu.sync_copy(pd_hbm.at[wid], idx_d)

        def chunk(j, carry):
            a = pltpu.async_copy(u_hbm.at[idx_s.at[j]], bufs, sem0)
            b = pltpu.async_copy(v_hbm.at[idx_d.at[j]], bufd, sem1)
            a.wait()
            b.wait()
            base = wid * EPW + j * CH
            pltpu.sync_copy(bufs, tu_out.at[pl.ds(base, CH)])
            pltpu.sync_copy(bufd, tv_out.at[pl.ds(base, CH)])
            return carry

        lax.fori_loop(0, NCHUNK, chunk, 0)

    return pl.kernel(body, out_type=out_type, mesh=_sc_mesh(),
                     scratch_types=scratch)


_NB = 1000


def _tc_b_body(s0, s1, c0, c1, x, wl1, wr1, bl1, g1, be1, wr2, h_out, hw2):
    cnt = jnp.maximum(c0[...] + c1[...], 1.0)
    aggr = (s0[...] + s1[...]) / cnt
    pre = (jnp.dot(aggr, wl1[...], preferred_element_type=_f32) + bl1[...]
           + jnp.dot(x[...], wr1[...], preferred_element_type=_f32))
    h = jnp.maximum(pre * (g1[...] * BN_SCALE) + be1[...], 0.0)
    h_out[...] = h
    hw2[...] = jnp.dot(h, wr2[...], preferred_element_type=_f32)


def _tc_b(s1p0, s1p1, cnt0, cnt1, x, wl1, wr1, bl1, g1, be1, wr2):
    row = lambda i: (i, 0)
    fix = lambda i: (0, 0)
    return pl.pallas_call(
        _tc_b_body,
        grid=(N // _NB,),
        in_specs=[
            pl.BlockSpec((_NB, DH), row),
            pl.BlockSpec((_NB, DH), row),
            pl.BlockSpec((_NB, 1), row),
            pl.BlockSpec((_NB, 1), row),
            pl.BlockSpec((_NB, DIN), row),
            pl.BlockSpec((DIN, DH), fix),
            pl.BlockSpec((DIN, DH), fix),
            pl.BlockSpec((1, DH), fix),
            pl.BlockSpec((1, DH), fix),
            pl.BlockSpec((1, DH), fix),
            pl.BlockSpec((DH, DOUT), fix),
        ],
        out_specs=[pl.BlockSpec((_NB, DH), row),
                   pl.BlockSpec((_NB, DOUT), row)],
        out_shape=[jax.ShapeDtypeStruct((N, DH), _f32),
                   jax.ShapeDtypeStruct((N, DOUT), _f32)],
    )(s1p0, s1p1, cnt0, cnt1, x, wl1, wr1, bl1, g1, be1, wr2)


def _tc_c_body(s0, s1, c0, c1, hw2, wl2, bl2, w1, c1b, u_out, v_out):
    cnt = jnp.maximum(c0[...] + c1[...], 1.0)
    aggr = (s0[...] + s1[...]) / cnt
    z = (jnp.dot(aggr, wl2[...], preferred_element_type=_f32) + bl2[...]
         + hw2[...])
    w1m = w1[...]
    u_out[...] = jnp.dot(z, w1m[:DOUT], preferred_element_type=_f32) + c1b[...]
    v_out[...] = jnp.dot(z, w1m[DOUT:], preferred_element_type=_f32)


def _tc_c(s2p0, s2p1, cnt0, cnt1, hw2, wl2, bl2, w1, c1b):
    row = lambda i: (i, 0)
    fix = lambda i: (0, 0)
    return pl.pallas_call(
        _tc_c_body,
        grid=(N // _NB,),
        in_specs=[
            pl.BlockSpec((_NB, DH), row),
            pl.BlockSpec((_NB, DH), row),
            pl.BlockSpec((_NB, 1), row),
            pl.BlockSpec((_NB, 1), row),
            pl.BlockSpec((_NB, DOUT), row),
            pl.BlockSpec((DH, DOUT), fix),
            pl.BlockSpec((1, DOUT), fix),
            pl.BlockSpec((2 * DOUT, DH), fix),
            pl.BlockSpec((1, DH), fix),
        ],
        out_specs=[pl.BlockSpec((_NB, DH), row),
                   pl.BlockSpec((_NB, DH), row)],
        out_shape=[jax.ShapeDtypeStruct((N, DH), _f32),
                   jax.ShapeDtypeStruct((N, DH), _f32)],
    )(s2p0, s2p1, cnt0, cnt1, hw2, wl2, bl2, w1, c1b)


_EB = 512


def _tc_d_body(tu, tv, pg1, pbe1, w2, c2, pg2, pbe2, w3, c3, out):
    t = tu[...] + tv[...]
    t = jnp.maximum(t * (pg1[...] * BN_SCALE) + pbe1[...], 0.0)
    t = jnp.dot(t, w2[...], preferred_element_type=_f32) + c2[...]
    t = jnp.maximum(t * (pg2[...] * BN_SCALE) + pbe2[...], 0.0)
    out[...] = jnp.sum(t * w3[...], axis=1) + c3[0]


def _tc_d(tu, tv, pg1, pbe1, w2, c2, pg2, pbe2, w3row, c3):
    row = lambda i: (i, 0)
    fix = lambda i: (0, 0)
    return pl.pallas_call(
        _tc_d_body,
        grid=(E // _EB,),
        in_specs=[
            pl.BlockSpec((_EB, DH), row),
            pl.BlockSpec((_EB, DH), row),
            pl.BlockSpec((1, DH), fix),
            pl.BlockSpec((1, DH), fix),
            pl.BlockSpec((DH, DOUT), fix),
            pl.BlockSpec((1, DOUT), fix),
            pl.BlockSpec((1, DOUT), fix),
            pl.BlockSpec((1, DOUT), fix),
            pl.BlockSpec((1, DOUT), fix),
            pl.BlockSpec(memory_space=pltpu.SMEM),
        ],
        out_specs=pl.BlockSpec((_EB,), lambda i: (i,)),
        out_shape=jax.ShapeDtypeStruct((E,), _f32),
    )(tu, tv, pg1, pbe1, w2, c2, pg2, pbe2, w3row, c3)


def kernel(x, edge_index, pred_edge_index, Wl1, bl1, Wr1, g1, be1, Wl2, bl2,
           Wr2, W1, c1, pg1, pbe1, W2, c2, pg2, pbe2, W3, c3):
    src3d = edge_index[0].reshape(NW, NCHUNK, CH)
    dst3d = edge_index[1].reshape(NW, NCHUNK, CH)
    ps3d = pred_edge_index[0].reshape(NW, NCHUNK, CH)
    pd3d = pred_edge_index[1].reshape(NW, NCHUNK, CH)
    zrows = jnp.zeros((N, DH), _f32)
    zvec = jnp.zeros((N,), _f32)

    s1p, cntp = _make_segsum(True)(src3d, dst3d, x, zrows, zvec)
    cnt0 = cntp[:N].reshape(N, 1)
    cnt1 = cntp[N:].reshape(N, 1)

    h, hw2 = _tc_b(s1p[0], s1p[1], cnt0, cnt1, x, Wl1, Wr1,
                   bl1.reshape(1, DH), g1.reshape(1, DH), be1.reshape(1, DH),
                   Wr2)

    (s2p,) = _make_segsum(False)(src3d, dst3d, h, zrows, zvec)

    u, v = _tc_c(s2p[0], s2p[1], cnt0, cnt1, hw2, Wl2,
                 bl2.reshape(1, DOUT), W1, c1.reshape(1, DH))

    tu, tv = _make_pred_gather()(ps3d, pd3d, u, v)

    return _tc_d(tu, tv,
                 pg1.reshape(1, DH), pbe1.reshape(1, DH),
                 W2, c2.reshape(1, DOUT), pg2.reshape(1, DOUT),
                 pbe2.reshape(1, DOUT), W3.reshape(1, DOUT), c3)

# --- scband reference (transcript-rebuilt; emitter-appended) ---
"""Pipeline reference for scband-collaboration-gnn-39548058862204 (READ-ONLY COPY).

The authoritative reference and input builder live on the scoring server;
editing this copy changes nothing except your own understanding.
"""

import jax, jax.numpy as jnp
import numpy as np

N = 10000
E = 320000
DIN = 128
DH = 128
DOUT = 64
EPS = 1e-5


def setup_inputs(seed: int = 0) -> dict:
    key = jax.random.key(seed)
    ks = jax.random.split(key, 24)
    x = jax.random.normal(ks[0], (N, DIN), dtype=jnp.float32)
    edge_index = jax.random.randint(ks[1], (2, E), 0, N).astype(jnp.int32)
    pred_edge_index = jax.random.randint(ks[2], (2, E), 0, N).astype(jnp.int32)
    s = 0.05
    params = {
        'Wl1': jax.random.normal(ks[3], (DIN, DH), jnp.float32) * s,
        'bl1': jnp.zeros((DH,), jnp.float32),
        'Wr1': jax.random.normal(ks[4], (DIN, DH), jnp.float32) * s,
        'g1': jnp.ones((DH,), jnp.float32),
        'be1': jnp.zeros((DH,), jnp.float32),
        'Wl2': jax.random.normal(ks[5], (DH, DOUT), jnp.float32) * s,
        'bl2': jnp.zeros((DOUT,), jnp.float32),
        'Wr2': jax.random.normal(ks[6], (DH, DOUT), jnp.float32) * s,
        'W1': jax.random.normal(ks[7], (2 * DOUT, DH), jnp.float32) * s,
        'c1': jnp.zeros((DH,), jnp.float32),
        'pg1': jnp.ones((DH,), jnp.float32),
        'pbe1': jnp.zeros((DH,), jnp.float32),
        'W2': jax.random.normal(ks[8], (DH, DH // 2), jnp.float32) * s,
        'c2': jnp.zeros((DH // 2,), jnp.float32),
        'pg2': jnp.ones((DH // 2,), jnp.float32),
        'pbe2': jnp.zeros((DH // 2,), jnp.float32),
        'W3': jax.random.normal(ks[9], (DH // 2, 1), jnp.float32) * s,
        'c3': jnp.zeros((1,), jnp.float32),
    }
    out = {'x': x, 'edge_index': edge_index, 'pred_edge_index': pred_edge_index}
    out.update(params)
    return out


def _segment_mean(vals, seg, num):
    s = jax.ops.segment_sum(vals, seg, num_segments=num)
    cnt = jax.ops.segment_sum(jnp.ones((seg.shape[0], 1), vals.dtype), seg, num_segments=num)
    return s / jnp.clip(cnt, 1.0, None)


def _bn_eval(h, g, b):
    # BatchNorm1d in eval mode with running_mean=0, running_var=1
    return (h / jnp.sqrt(1.0 + EPS)) * g + b


def _sage(h, edge_index, Wl, bl, Wr):
    src = edge_index[0]
    dst = edge_index[1]
    aggr = _segment_mean(h[src], dst, h.shape[0])
    return aggr @ Wl + bl + h @ Wr


def reference(x, edge_index, pred_edge_index, Wl1, bl1, Wr1, g1, be1, Wl2, bl2, Wr2,
              W1, c1, pg1, pbe1, W2, c2, pg2, pbe2, W3, c3):
    # GraphSAGE encoder (eval mode: dropout is no-op)
    h = _sage(x, edge_index, Wl1, bl1, Wr1)
    h = _bn_eval(h, g1, be1)
    h = jax.nn.relu(h)
    z = _sage(h, edge_index, Wl2, bl2, Wr2)
    # Link predictor on pred_edge_index
    z_src = z[pred_edge_index[0]]
    z_dst = z[pred_edge_index[1]]
    t = jnp.concatenate([z_src, z_dst], axis=-1)
    t = t @ W1 + c1
    t = _bn_eval(t, pg1, pbe1)
    t = jax.nn.relu(t)
    t = t @ W2 + c2
    t = _bn_eval(t, pg2, pbe2)
    t = jax.nn.relu(t)
    t = t @ W3 + c3
    return jnp.squeeze(t, axis=-1)

if __name__ == "__main__":
    import jax
    _d = setup_inputs()
    print(jax.jit(kernel)(*tuple(_d.values())))

</pallas_src>

<mosaic_0001>
#map = affine_map<(d0, d1) -> (0, 0, 0)>
#map1 = affine_map<(d0, d1) -> (0, 0)>
module attributes {stable_mosaic.version = 14 : i64} {
  func.func @body(%arg0: i32, %arg1: i32, %arg2: memref<32x125x80xi32, #tpu.memory_space<hbm>>, %arg3: memref<32x125x80xi32, #tpu.memory_space<hbm>>, %arg4: memref<10000x128xf32, #tpu.memory_space<hbm>>, %arg5: memref<10000x128xf32, #tpu.memory_space<hbm>>, %arg6: memref<320000x128xf32, #tpu.memory_space<hbm>>, %arg7: memref<320000x128xf32, #tpu.memory_space<hbm>>, %arg8: memref<125x80xi32, #tpu.memory_space<vmem>>, %arg9: memref<125x80xi32, #tpu.memory_space<vmem>>, %arg10: memref<80x128xf32, #tpu.memory_space<vmem>>, %arg11: memref<80x128xf32, #tpu.memory_space<vmem>>, %arg12: memref<!tpu.dma_semaphore, #tpu.memory_space<semaphore_mem>>, %arg13: memref<!tpu.dma_semaphore, #tpu.memory_space<semaphore_mem>>) attributes {dimension_semantics = [#tpu.dimension_semantics<core_parallel>, #tpu.dimension_semantics<subcore_parallel>], iteration_bounds = array<i64: 2, 16>, scalar_prefetch = 0 : i64, scratch_operands = 6 : i64, tpu.core_type = #tpu.core_type<sc_vector_subcore>, window_params = [{transform_indices = #map}, {transform_indices = #map}, {transform_indices = #map1}, {transform_indices = #map1}, {transform_indices = #map1}, {transform_indices = #map1}]} {
    %mul3A = arith.constant 16 : i32
    %mul3A_0 = arith.muli %arg0, %mul3A : i32
    %add3A = arith.addi %mul3A_0, %arg1 : i32
    "tpu.region"() ({
      %run_scoped3A = tpu.sem_alloc : memref<!tpu.dma_semaphore, #tpu.memory_space<semaphore_mem>>
      %dma_start3A = arith.constant 0 : i32
      %dma_start3A_6 = arith.constant 0 : i32
      %dma_start3A_7 = tpu.memref_slice %arg2[%add3A, %dma_start3A, %dma_start3A_6] : memref<32x125x80xi32, #tpu.memory_space<hbm>> -> memref<1x125x80xi32, #tpu.memory_space<hbm>>
      %dma_start3A_8 = tpu.memref_squeeze %dma_start3A_7 : memref<1x125x80xi32, #tpu.memory_space<hbm>> -> memref<125x80xi32, #tpu.memory_space<hbm>>
      %dma_start3A_9 = arith.constant 0 : i32
      %dma_start3A_10 = arith.constant 0 : i32
      %dma_start3A_11 = tpu.memref_slice %arg2[%add3A, %dma_start3A_9, %dma_start3A_10] : memref<32x125x80xi32, #tpu.memory_space<hbm>> -> memref<1x125x80xi32, #tpu.memory_space<hbm>>
      %dma_start3A_12 = tpu.memref_squeeze %dma_start3A_11 : memref<1x125x80xi32, #tpu.memory_space<hbm>> -> memref<125x80xi32, #tpu.memory_space<hbm>>
      tpu.enqueue_dma source(%dma_start3A_12 : memref<125x80xi32, #tpu.memory_space<hbm>>) target(%arg8 : memref<125x80xi32, #tpu.memory_space<vmem>>) target_semaphore(%run_scoped3A : memref<!tpu.dma_semaphore, #tpu.memory_space<semaphore_mem>>)
      %dma_wait3A = arith.constant 0 : i32
      %dma_wait3A_13 = arith.constant 0 : i32
      %dma_wait3A_14 = tpu.memref_slice %arg2[%add3A, %dma_wait3A, %dma_wait3A_13] : memref<32x125x80xi32, #tpu.memory_space<hbm>> -> memref<1x125x80xi32, #tpu.memory_space<hbm>>
      %dma_wait3A_15 = tpu.memref_squeeze %dma_wait3A_14 : memref<1x125x80xi32, #tpu.memory_space<hbm>> -> memref<125x80xi32, #tpu.memory_space<hbm>>
      %dma_wait3A_16 = arith.constant 0 : i32
      %dma_wait3A_17 = arith.constant 0 : i32
      %dma_wait3A_18 = tpu.memref_slice %arg2[%add3A, %dma_wait3A_16, %dma_wait3A_17] : memref<32x125x80xi32, #tpu.memory_space<hbm>> -> memref<1x125x80xi32, #tpu.memory_space<hbm>>
      %dma_wait3A_19 = tpu.memref_squeeze %dma_wait3A_18 : memref<1x125x80xi32, #tpu.memory_space<hbm>> -> memref<125x80xi32, #tpu.memory_space<hbm>>
      tpu.wait_dma2 semaphore(%run_scoped3A : memref<!tpu.dma_semaphore, #tpu.memory_space<semaphore_mem>>) src(%dma_wait3A_19 : memref<125x80xi32, #tpu.memory_space<hbm>>) dst(%arg8 : memref<125x80xi32, #tpu.memory_space<vmem>>)
      tpu.yield
    }) : () -> ()
    "tpu.region"() ({
      %run_scoped3A = tpu.sem_alloc : memref<!tpu.dma_semaphore, #tpu.memory_space<semaphore_mem>>
      %dma_start3A = arith.constant 0 : i32
      %dma_start3A_6 = arith.constant 0 : i32
      %dma_start3A_7 = tpu.memref_slice %arg3[%add3A, %dma_start3A, %dma_start3A_6] : memref<32x125x80xi32, #tpu.memory_space<hbm>> -> memref<1x125x80xi32, #tpu.memory_space<hbm>>
      %dma_start3A_8 = tpu.memref_squeeze %dma_start3A_7 : memref<1x125x80xi32, #tpu.memory_space<hbm>> -> memref<125x80xi32, #tpu.memory_space<hbm>>
      %dma_start3A_9 = arith.constant 0 : i32
      %dma_start3A_10 = arith.constant 0 : i32
      %dma_start3A_11 = tpu.memref_slice %arg3[%add3A, %dma_start3A_9, %dma_start3A_10] : memref<32x125x80xi32, #tpu.memory_space<hbm>> -> memref<1x125x80xi32, #tpu.memory_space<hbm>>
      %dma_start3A_12 = tpu.memref_squeeze %dma_start3A_11 : memref<1x125x80xi32, #tpu.memory_space<hbm>> -> memref<125x80xi32, #tpu.memory_space<hbm>>
      tpu.enqueue_dma source(%dma_start3A_12 : memref<125x80xi32, #tpu.memory_space<hbm>>) target(%arg9 : memref<125x80xi32, #tpu.memory_space<vmem>>) target_semaphore(%run_scoped3A : memref<!tpu.dma_semaphore, #tpu.memory_space<semaphore_mem>>)
      %dma_wait3A = arith.constant 0 : i32
      %dma_wait3A_13 = arith.constant 0 : i32
      %dma_wait3A_14 = tpu.memref_slice %arg3[%add3A, %dma_wait3A, %dma_wait3A_13] : memref<32x125x80xi32, #tpu.memory_space<hbm>> -> memref<1x125x80xi32, #tpu.memory_space<hbm>>
      %dma_wait3A_15 = tpu.memref_squeeze %dma_wait3A_14 : memref<1x125x80xi32, #tpu.memory_space<hbm>> -> memref<125x80xi32, #tpu.memory_space<hbm>>
      %dma_wait3A_16 = arith.constant 0 : i32
      %dma_wait3A_17 = arith.constant 0 : i32
      %dma_wait3A_18 = tpu.memref_slice %arg3[%add3A, %dma_wait3A_16, %dma_wait3A_17] : memref<32x125x80xi32, #tpu.memory_space<hbm>> -> memref<1x125x80xi32, #tpu.memory_space<hbm>>
      %dma_wait3A_19 = tpu.memref_squeeze %dma_wait3A_18 : memref<1x125x80xi32, #tpu.memory_space<hbm>> -> memref<125x80xi32, #tpu.memory_space<hbm>>
      tpu.wait_dma2 semaphore(%run_scoped3A : memref<!tpu.dma_semaphore, #tpu.memory_space<semaphore_mem>>) src(%dma_wait3A_19 : memref<125x80xi32, #tpu.memory_space<hbm>>) dst(%arg9 : memref<125x80xi32, #tpu.memory_space<vmem>>)
      tpu.yield
    }) : () -> ()
    %scan3A = arith.constant 0 : i32
    %scan3A_1 = arith.constant 0 : i32
    %scan3A_2 = arith.constant 125 : i32
    %scan3A_3 = arith.addi %scan3A_1, %scan3A_2 : i32
    %scan3A_4 = arith.constant 1 : i32
    scf.for %scan3A_6 = %scan3A_1 to %scan3A_3 step %scan3A_4  : i32 {
      %dma_start3A = arith.constant 0 : i32
      %dma_start3A_7 = tpu.memref_slice %arg8[%scan3A_6, %dma_start3A] : memref<125x80xi32, #tpu.memory_space<vmem>> -> memref<1x80xi32, #tpu.memory_space<vmem>>
      %dma_start3A_8 = tpu.memref_squeeze %dma_start3A_7 : memref<1x80xi32, #tpu.memory_space<vmem>> -> memref<80xi32, #tpu.memory_space<vmem>>
      %dma_start3A_9 = arith.constant 0 : i32
      %dma_start3A_10 = arith.constant 0 : i32
      %dma_start3A_11 = tpu.memref_slice %arg4[%dma_start3A_9, %dma_start3A_10] : memref<10000x128xf32, #tpu.memory_space<hbm>> -> memref<10000x128xf32, #tpu.memory_space<hbm>>
      tpu.enqueue_indirect_dma source(%dma_start3A_11 : memref<10000x128xf32, #tpu.memory_space<hbm>>) target(%arg10 : memref<80x128xf32, #tpu.memory_space<vmem>>) offsets(%dma_start3A_8 : memref<80xi32, #tpu.memory_space<vmem>>) semaphore(%arg12 : memref<!tpu.dma_semaphore, #tpu.memory_space<semaphore_mem>>)
      %dma_start3A_12 = arith.constant 0 : i32
      %dma_start3A_13 = tpu.memref_slice %arg9[%scan3A_6, %dma_start3A_12] : memref<125x80xi32, #tpu.memory_space<vmem>> -> memref<1x80xi32, #tpu.memory_space<vmem>>
      %dma_start3A_14 = tpu.memref_squeeze %dma_start3A_13 : memref<1x80xi32, #tpu.memory_space<vmem>> -> memref<80xi32, #tpu.memory_space<vmem>>
      %dma_start3A_15 = arith.constant 0 : i32
      %dma_start3A_16 = arith.constant 0 : i32
      %dma_start3A_17 = tpu.memref_slice %arg5[%dma_start3A_15, %dma_start3A_16] : memref<10000x128xf32, #tpu.memory_space<hbm>> -> memref<10000x128xf32, #tpu.memory_space<hbm>>
      tpu.enqueue_indirect_dma source(%dma_start3A_17 : memref<10000x128xf32, #tpu.memory_space<hbm>>) target(%arg11 : memref<80x128xf32, #tpu.memory_space<vmem>>) offsets(%dma_start3A_14 : memref<80xi32, #tpu.memory_space<vmem>>) semaphore(%arg13 : memref<!tpu.dma_semaphore, #tpu.memory_space<semaphore_mem>>)
      %dma_wait3A = arith.constant 0 : i32
      %dma_wait3A_18 = tpu.memref_slice %arg8[%scan3A_6, %dma_wait3A] : memref<125x80xi32, #tpu.memory_space<vmem>> -> memref<1x80xi32, #tpu.memory_space<vmem>>
      %dma_wait3A_19 = tpu.memref_squeeze %dma_wait3A_18 : memref<1x80xi32, #tpu.memory_space<vmem>> -> memref<80xi32, #tpu.memory_space<vmem>>
      %dma_wait3A_20 = arith.constant 0 : i32
      %dma_wait3A_21 = arith.constant 0 : i32
      %dma_wait3A_22 = tpu.memref_slice %arg4[%dma_wait3A_20, %dma_wait3A_21] : memref<10000x128xf32, #tpu.memory_space<hbm>> -> memref<10000x128xf32, #tpu.memory_space<hbm>>
      tpu.wait_indirect_dma semaphore(%arg12 : memref<!tpu.dma_semaphore, #tpu.memory_space<semaphore_mem>>) src(%dma_wait3A_22 : memref<10000x128xf32, #tpu.memory_space<hbm>>) dst(%arg10 : memref<80x128xf32, #tpu.memory_space<vmem>>)
      %dma_wait3A_23 = arith.constant 0 : i32
      %dma_wait3A_24 = tpu.memref_slice %arg9[%scan3A_6, %dma_wait3A_23] : memref<125x80xi32, #tpu.memory_space<vmem>> -> memref<1x80xi32, #tpu.memory_space<vmem>>
      %dma_wait3A_25 = tpu.memref_squeeze %dma_wait3A_24 : memref<1x80xi32, #tpu.memory_space<vmem>> -> memref<80xi32, #tpu.memory_space<vmem>>
      %dma_wait3A_26 = arith.constant 0 : i32
      %dma_wait3A_27 = arith.constant 0 : i32
      %dma_wait3A_28 = tpu.memref_slice %arg5[%dma_wait3A_26, %dma_wait3A_27] : memref<10000x128xf32, #tpu.memory_space<hbm>> -> memref<10000x128xf32, #tpu.memory_space<hbm>>
      tpu.wait_indirect_dma semaphore(%arg13 : memref<!tpu.dma_semaphore, #tpu.memory_space<semaphore_mem>>) src(%dma_wait3A_28 : memref<10000x128xf32, #tpu.memory_space<hbm>>) dst(%arg11 : memref<80x128xf32, #tpu.memory_space<vmem>>)
      %mul3A_29 = arith.constant 10000 : i32
      %mul3A_30 = arith.muli %add3A, %mul3A_29 : i32
      %mul3A_31 = arith.constant 80 : i32
      %mul3A_32 = arith.muli %scan3A_6, %mul3A_31 : i32
      %add3A_33 = arith.addi %mul3A_30, %mul3A_32 : i32
      "tpu.region"() ({
        %run_scoped3A = tpu.sem_alloc : memref<!tpu.dma_semaphore, #tpu.memory_space<semaphore_mem>>
        %dma_start3A_34 = arith.constant 0 : i32
        %dma_start3A_35 = tpu.memref_slice %arg6[%add3A_33, %dma_start3A_34] : memref<320000x128xf32, #tpu.memory_space<hbm>> -> memref<80x128xf32, #tpu.memory_space<hbm>>
        %dma_start3A_36 = arith.constant 0 : i32
        %dma_start3A_37 = tpu.memref_slice %arg6[%add3A_33, %dma_start3A_36] : memref<320000x128xf32, #tpu.memory_space<hbm>> -> memref<80x128xf32, #tpu.memory_space<hbm>>
        tpu.enqueue_dma source(%arg10 : memref<80x128xf32, #tpu.memory_space<vmem>>) target(%dma_start3A_37 : memref<80x128xf32, #tpu.memory_space<hbm>>) target_semaphore(%run_scoped3A : memref<!tpu.dma_semaphore, #tpu.memory_space<semaphore_mem>>)
        %dma_wait3A_38 = arith.constant 0 : i32
        %dma_wait3A_39 = tpu.memref_slice %arg6[%add3A_33, %dma_wait3A_38] : memref<320000x128xf32, #tpu.memory_space<hbm>> -> memref<80x128xf32, #tpu.memory_space<hbm>>
        %dma_wait3A_40 = arith.constant 0 : i32
        %dma_wait3A_41 = tpu.memref_slice %arg6[%add3A_33, %dma_wait3A_40] : memref<320000x128xf32, #tpu.memory_space<hbm>> -> memref<80x128xf32, #tpu.memory_space<hbm>>
        tpu.wait_dma2 semaphore(%run_scoped3A : memref<!tpu.dma_semaphore, #tpu.memory_space<semaphore_mem>>) src(%arg10 : memref<80x128xf32, #tpu.memory_space<vmem>>) dst(%dma_wait3A_41 : memref<80x128xf32, #tpu.memory_space<hbm>>)
        tpu.yield
      }) : () -> ()
      "tpu.region"() ({
        %run_scoped3A = tpu.sem_alloc : memref<!tpu.dma_semaphore, #tpu.memory_space<semaphore_mem>>
        %dma_start3A_34 = arith.constant 0 : i32
        %dma_start3A_35 = tpu.memref_slice %arg7[%add3A_33, %dma_start3A_34] : memref<320000x128xf32, #tpu.memory_space<hbm>> -> memref<80x128xf32, #tpu.memory_space<hbm>>
        %dma_start3A_36 = arith.constant 0 : i32
        %dma_start3A_37 = tpu.memref_slice %arg7[%add3A_33, %dma_start3A_36] : memref<320000x128xf32, #tpu.memory_space<hbm>> -> memref<80x128xf32, #tpu.memory_space<hbm>>
        tpu.enqueue_dma source(%arg11 : memref<80x128xf32, #tpu.memory_space<vmem>>) target(%dma_start3A_37 : memref<80x128xf32, #tpu.memory_space<hbm>>) target_semaphore(%run_scoped3A : memref<!tpu.dma_semaphore, #tpu.memory_space<semaphore_mem>>)
        %dma_wait3A_38 = arith.constant 0 : i32
        %dma_wait3A_39 = tpu.memref_slice %arg7[%add3A_33, %dma_wait3A_38] : memref<320000x128xf32, #tpu.memory_space<hbm>> -> memref<80x128xf32, #tpu.memory_space<hbm>>
        %dma_wait3A_40 = arith.constant 0 : i32
        %dma_wait3A_41 = tpu.memref_slice %arg7[%add3A_33, %dma_wait3A_40] : memref<320000x128xf32, #tpu.memory_space<hbm>> -> memref<80x128xf32, #tpu.memory_space<hbm>>
        tpu.wait_dma2 semaphore(%run_scoped3A : memref<!tpu.dma_semaphore, #tpu.memory_space<semaphore_mem>>) src(%arg11 : memref<80x128xf32, #tpu.memory_space<vmem>>) dst(%dma_wait3A_41 : memref<80x128xf32, #tpu.memory_space<hbm>>)
        tpu.yield
      }) : () -> ()
    }
    %scan3A_5 = arith.constant 125 : i32
    return
  }
}

#map = affine_map<(d0, d1) -> (0, 0, 0)>
#map1 = affine_map<(d0, d1) -> (0, 0)>
#map2 = affine_map<(d0, d1) -> (0)>
module attributes {stable_mosaic.version = 14 : i64} {
  func.func @body(%arg0: i32, %arg1: i32, %arg2: memref<32x125x80xi32, #tpu.memory_space<hbm>>, %arg3: memref<32x125x80xi32, #tpu.memory_space<hbm>>, %arg4: memref<10000x128xf32, #tpu.memory_space<hbm>>, %arg5: memref<10000x128xf32, #tpu.memory_space<hbm>>, %arg6: memref<10000xf32, #tpu.memory_space<hbm>>, %arg7: memref<2x10000x128xf32, #tpu.memory_space<hbm>>, %arg8: memref<20000xf32, #tpu.memory_space<hbm>>, %arg9: memref<125x80xi32, #tpu.memory_space<vmem>>, %arg10: memref<125x80xi32, #tpu.memory_space<vmem>>, %arg11: memref<80x128xf32, #tpu.memory_space<vmem>>, %arg12: memref<10000x128xf32, #tpu.memory_space<vmem_shared>>, %arg13: memref<!tpu.dma_semaphore, #tpu.memory_space<semaphore_mem>>, %arg14: memref<80xf32, #tpu.memory_space<vmem>>, %arg15: memref<10000xf32, #tpu.memory_space<vmem_shared>>, %arg16: memref<5000xf32, #tpu.memory_space<vmem>>) attributes {dimension_semantics = [#tpu.dimension_semantics<core_parallel>, #tpu.dimension_semantics<subcore_parallel>], iteration_bounds = array<i64: 2, 16>, scalar_prefetch = 0 : i64, scratch_operands = 8 : i64, tpu.core_type = #tpu.core_type<sc_vector_subcore>, window_params = [{transform_indices = #map}, {transform_indices = #map}, {transform_indices = #map1}, {transform_indices = #map1}, {transform_indices = #map2}, {transform_indices = #map}, {transform_indices = #map2}]} {
    %mul3A = arith.constant 16 : i32
    %mul3A_0 = arith.muli %arg0, %mul3A : i32
    %add3A = arith.addi %mul3A_0, %arg1 : i32
    %mul3A_1 = arith.constant 624 : i32
    %mul3A_2 = arith.muli %arg1, %mul3A_1 : i32
    %lt3A = arith.constant 15 : i32
    %lt3A_3 = arith.cmpi slt, %arg1, %lt3A : i32
    %convert_element_type3A = arith.extui %lt3A_3 : i1 to i32
    %cond3A = arith.constant 0 : i32
    %cond3A_4 = arith.cmpi ne, %convert_element_type3A, %cond3A : i32
    scf.if %cond3A_4 {
      "tpu.region"() ({
        %run_scoped3A = tpu.sem_alloc : memref<!tpu.dma_semaphore, #tpu.memory_space<semaphore_mem>>
        %dma_start3A = arith.constant 0 : i32
        %dma_start3A_63 = tpu.memref_slice %arg12[%mul3A_2, %dma_start3A] : memref<10000x128xf32, #tpu.memory_space<vmem_shared>> -> memref<624x128xf32, #tpu.memory_space<vmem_shared>>
        %dma_start3A_64 = arith.constant 0 : i32
        %dma_start3A_65 = tpu.memref_slice %arg5[%mul3A_2, %dma_start3A_64] : memref<10000x128xf32, #tpu.memory_space<hbm>> -> memref<624x128xf32, #tpu.memory_space<hbm>>
        tpu.enqueue_dma source(%dma_start3A_65 : memref<624x128xf32, #tpu.memory_space<hbm>>) target(%dma_start3A_63 : memref<624x128xf32, #tpu.memory_space<vmem_shared>>) target_semaphore(%run_scoped3A : memref<!tpu.dma_semaphore, #tpu.memory_space<semaphore_mem>>)
        %dma_wait3A = arith.constant 0 : i32
        %dma_wait3A_66 = tpu.memref_slice %arg12[%mul3A_2, %dma_wait3A] : memref<10000x128xf32, #tpu.memory_space<vmem_shared>> -> memref<624x128xf32, #tpu.memory_space<vmem_shared>>
        %dma_wait3A_67 = arith.constant 0 : i32
        %dma_wait3A_68 = tpu.memref_slice %arg5[%mul3A_2, %dma_wait3A_67] : memref<10000x128xf32, #tpu.memory_space<hbm>> -> memref<624x128xf32, #tpu.memory_space<hbm>>
        tpu.wait_dma2 semaphore(%run_scoped3A : memref<!tpu.dma_semaphore, #tpu.memory_space<semaphore_mem>>) src(%dma_wait3A_68 : memref<624x128xf32, #tpu.memory_space<hbm>>) dst(%dma_wait3A_66 : memref<624x128xf32, #tpu.memory_space<vmem_shared>>)
        tpu.yield
      }) : () -> ()
    } else {
    }
    %eq3A = arith.constant 15 : i32
    %eq3A_5 = arith.cmpi eq, %arg1, %eq3A : i32
    %convert_element_type3A_6 = arith.extui %eq3A_5 : i1 to i32
    %cond3A_7 = arith.constant 0 : i32
    %cond3A_8 = arith.cmpi ne, %convert_element_type3A_6, %cond3A_7 : i32
    scf.if %cond3A_8 {
      "tpu.region"() ({
        %run_scoped3A = tpu.sem_alloc : memref<!tpu.dma_semaphore, #tpu.memory_space<semaphore_mem>>
        %dma_start3A = arith.constant 9360 : i32
        %dma_start3A_63 = arith.constant 0 : i32
        %dma_start3A_64 = tpu.memref_slice %arg12[%dma_start3A, %dma_start3A_63] : memref<10000x128xf32, #tpu.memory_space<vmem_shared>> -> memref<640x128xf32, #tpu.memory_space<vmem_shared>>
        %dma_start3A_65 = arith.constant 9360 : i32
        %dma_start3A_66 = arith.constant 0 : i32
        %dma_start3A_67 = tpu.memref_slice %arg5[%dma_start3A_65, %dma_start3A_66] : memref<10000x128xf32, #tpu.memory_space<hbm>> -> memref<640x128xf32, #tpu.memory_space<hbm>>
        tpu.enqueue_dma source(%dma_start3A_67 : memref<640x128xf32, #tpu.memory_space<hbm>>) target(%dma_start3A_64 : memref<640x128xf32, #tpu.memory_space<vmem_shared>>) target_semaphore(%run_scoped3A : memref<!tpu.dma_semaphore, #tpu.memory_space<semaphore_mem>>)
        %dma_wait3A = arith.constant 9360 : i32
        %dma_wait3A_68 = arith.constant 0 : i32
        %dma_wait3A_69 = tpu.memref_slice %arg12[%dma_wait3A, %dma_wait3A_68] : memref<10000x128xf32, #tpu.memory_space<vmem_shared>> -> memref<640x128xf32, #tpu.memory_space<vmem_shared>>
        %dma_wait3A_70 = arith.constant 9360 : i32
        %dma_wait3A_71 = arith.constant 0 : i32
        %dma_wait3A_72 = tpu.memref_slice %arg5[%dma_wait3A_70, %dma_wait3A_71] : memref<10000x128xf32, #tpu.memory_space<hbm>> -> memref<640x128xf32, #tpu.memory_space<hbm>>
        tpu.wait_dma2 semaphore(%run_scoped3A : memref<!tpu.dma_semaphore, #tpu.memory_space<semaphore_mem>>) src(%dma_wait3A_72 : memref<640x128xf32, #tpu.memory_space<hbm>>) dst(%dma_wait3A_69 : memref<640x128xf32, #tpu.memory_space<vmem_shared>>)
        tpu.yield
      }) : () -> ()
    } else {
    }
    %lt3A_9 = arith.constant 2 : i32
    %lt3A_10 = arith.cmpi slt, %arg1, %lt3A_9 : i32
    %convert_element_type3A_11 = arith.extui %lt3A_10 : i1 to i32
    %cond3A_12 = arith.constant 0 : i32
    %cond3A_13 = arith.cmpi ne, %convert_element_type3A_11, %cond3A_12 : i32
    scf.if %cond3A_13 {
      %mul3A_63 = arith.constant 5000 : i32
      %mul3A_64 = arith.muli %arg1, %mul3A_63 : i32
      "tpu.region"() ({
        %run_scoped3A = tpu.sem_alloc : memref<!tpu.dma_semaphore, #tpu.memory_space<semaphore_mem>>
        %dma_start3A = tpu.memref_slice %arg6[%mul3A_64] : memref<10000xf32, #tpu.memory_space<hbm>> -> memref<5000xf32, #tpu.memory_space<hbm>>
        %dma_start3A_67 = tpu.memref_slice %arg6[%mul3A_64] : memref<10000xf32, #tpu.memory_space<hbm>> -> memref<5000xf32, #tpu.memory_space<hbm>>
        tpu.enqueue_dma source(%dma_start3A_67 : memref<5000xf32, #tpu.memory_space<hbm>>) target(%arg16 : memref<5000xf32, #tpu.memory_space<vmem>>) target_semaphore(%run_scoped3A : memref<!tpu.dma_semaphore, #tpu.memory_space<semaphore_mem>>)
        %dma_wait3A = tpu.memref_slice %arg6[%mul3A_64] : memref<10000xf32, #tpu.memory_space<hbm>> -> memref<5000xf32, #tpu.memory_space<hbm>>
        %dma_wait3A_68 = tpu.memref_slice %arg6[%mul3A_64] : memref<10000xf32, #tpu.memory_space<hbm>> -> memref<5000xf32, #tpu.memory_space<hbm>>
        tpu.wait_dma2 semaphore(%run_scoped3A : memref<!tpu.dma_semaphore, #tpu.memory_space<semaphore_mem>>) src(%dma_wait3A_68 : memref<5000xf32, #tpu.memory_space<hbm>>) dst(%arg16 : memref<5000xf32, #tpu.memory_space<vmem>>)
        tpu.yield
      }) : () -> ()
      %mul3A_65 = arith.constant 5000 : i32
      %mul3A_66 = arith.muli %arg1, %mul3A_65 : i32
      "tpu.region"() ({
        %run_scoped3A = tpu.sem_alloc : memref<!tpu.dma_semaphore, #tpu.memory_space<semaphore_mem>>
        %dma_start3A = tpu.memref_slice %arg15[%mul3A_66] : memref<10000xf32, #tpu.memory_space<vmem_shared>> -> memref<5000xf32, #tpu.memory_space<vmem_shared>>
        %dma_start3A_67 = tpu.memref_slice %arg15[%mul3A_66] : memref<10000xf32, #tpu.memory_space<vmem_shared>> -> memref<5000xf32, #tpu.memory_space<vmem_shared>>
        tpu.enqueue_dma source(%arg16 : memref<5000xf32, #tpu.memory_space<vmem>>) target(%dma_start3A_67 : memref<5000xf32, #tpu.memory_space<vmem_shared>>) target_semaphore(%run_scoped3A : memref<!tpu.dma_semaphore, #tpu.memory_space<semaphore_mem>>)
        %dma_wait3A = tpu.memref_slice %arg15[%mul3A_66] : memref<10000xf32, #tpu.memory_space<vmem_shared>> -> memref<5000xf32, #tpu.memory_space<vmem_shared>>
        %dma_wait3A_68 = tpu.memref_slice %arg15[%mul3A_66] : memref<10000xf32, #tpu.memory_space<vmem_shared>> -> memref<5000xf32, #tpu.memory_space<vmem_shared>>
        tpu.wait_dma2 semaphore(%run_scoped3A : memref<!tpu.dma_semaphore, #tpu.memory_space<semaphore_mem>>) src(%arg16 : memref<5000xf32, #tpu.memory_space<vmem>>) dst(%dma_wait3A_68 : memref<5000xf32, #tpu.memory_space<vmem_shared>>)
        tpu.yield
      }) : () -> ()
    } else {
    }
    %broadcast_in_dim3A = arith.constant 1.000000e+00 : f32
    %broadcast_in_dim3A_14 = vector.broadcast %broadcast_in_dim3A : f32 to vector<16xf32>
    %swap3A = arith.constant 0 : index
    %swap3A_15 = tpu.vector_load %arg14[%swap3A] {strides = array<i32>} : memref<80xf32, #tpu.memory_space<vmem>>, vector<16xf32>,
    %swap3A_16 = vector.shape_cast %swap3A_15 : vector<16xf32> to vector<16xf32>
    %swap3A_17 = vector.shape_cast %broadcast_in_dim3A_14 : vector<16xf32> to vector<16xf32>
    tpu.vector_store %arg14[%swap3A], %swap3A_17 {strides = array<i32>} : memref<80xf32, #tpu.memory_space<vmem>>, vector<16xf32>,
    %broadcast_in_dim3A_18 = arith.constant 1.000000e+00 : f32
    %broadcast_in_dim3A_19 = vector.broadcast %broadcast_in_dim3A_18 : f32 to vector<16xf32>
    %swap3A_20 = arith.constant 16 : index
    %swap3A_21 = tpu.vector_load %arg14[%swap3A_20] {strides = array<i32>} : memref<80xf32, #tpu.memory_space<vmem>>, vector<16xf32>,
    %swap3A_22 = vector.shape_cast %swap3A_21 : vector<16xf32> to vector<16xf32>
    %swap3A_23 = vector.shape_cast %broadcast_in_dim3A_19 : vector<16xf32> to vector<16xf32>
    tpu.vector_store %arg14[%swap3A_20], %swap3A_23 {strides = array<i32>} : memref<80xf32, #tpu.memory_space<vmem>>, vector<16xf32>,
    %broadcast_in_dim3A_24 = arith.constant 1.000000e+00 : f32
    %broadcast_in_dim3A_25 = vector.broadcast %broadcast_in_dim3A_24 : f32 to vector<16xf32>
    %swap3A_26 = arith.constant 32 : index
    %swap3A_27 = tpu.vector_load %arg14[%swap3A_26] {strides = array<i32>} : memref<80xf32, #tpu.memory_space<vmem>>, vector<16xf32>,
    %swap3A_28 = vector.shape_cast %swap3A_27 : vector<16xf32> to vector<16xf32>
    %swap3A_29 = vector.shape_cast %broadcast_in_dim3A_25 : vector<16xf32> to vector<16xf32>
    tpu.vector_store %arg14[%swap3A_26], %swap3A_29 {strides = array<i32>} : memref<80xf32, #tpu.memory_space<vmem>>, vector<16xf32>,
    %broadcast_in_dim3A_30 = arith.constant 1.000000e+00 : f32
    %broadcast_in_dim3A_31 = vector.broadcast %broadcast_in_dim3A_30 : f32 to vector<16xf32>
    %swap3A_32 = arith.constant 48 : index
    %swap3A_33 = tpu.vector_load %arg14[%swap3A_32] {strides = array<i32>} : memref<80xf32, #tpu.memory_space<vmem>>, vector<16xf32>,
    %swap3A_34 = vector.shape_cast %swap3A_33 : vector<16xf32> to vector<16xf32>
    %swap3A_35 = vector.shape_cast %broadcast_in_dim3A_31 : vector<16xf32> to vector<16xf32>
    tpu.vector_store %arg14[%swap3A_32], %swap3A_35 {strides = array<i32>} : memref<80xf32, #tpu.memory_space<vmem>>, vector<16xf32>,
    %broadcast_in_dim3A_36 = arith.constant 1.000000e+00 : f32
    %broadcast_in_dim3A_37 = vector.broadcast %broadcast_in_dim3A_36 : f32 to vector<16xf32>
    %swap3A_38 = arith.constant 64 : index
    %swap3A_39 = tpu.vector_load %arg14[%swap3A_38] {strides = array<i32>} : memref<80xf32, #tpu.memory_space<vmem>>, vector<16xf32>,
    %swap3A_40 = vector.shape_cast %swap3A_39 : vector<16xf32> to vector<16xf32>
    %swap3A_41 = vector.shape_cast %broadcast_in_dim3A_37 : vector<16xf32> to vector<16xf32>
    tpu.vector_store %arg14[%swap3A_38], %swap3A_41 {strides = array<i32>} : memref<80xf32, #tpu.memory_space<vmem>>, vector<16xf32>,
    "tpu.region"() ({
      %run_scoped3A = tpu.sem_alloc : memref<!tpu.dma_semaphore, #tpu.memory_space<semaphore_mem>>
      %dma_start3A = arith.constant 0 : i32
      %dma_start3A_63 = arith.constant 0 : i32
      %dma_start3A_64 = tpu.memref_slice %arg2[%add3A, %dma_start3A, %dma_start3A_63] : memref<32x125x80xi32, #tpu.memory_space<hbm>> -> memref<1x125x80xi32, #tpu.memory_space<hbm>>
      %dma_start3A_65 = tpu.memref_squeeze %dma_start3A_64 : memref<1x125x80xi32, #tpu.memory_space<hbm>> -> memref<125x80xi32, #tpu.memory_space<hbm>>
      %dma_start3A_66 = arith.constant 0 : i32
      %dma_start3A_67 = arith.constant 0 : i32
      %dma_start3A_68 = tpu.memref_slice %arg2[%add3A, %dma_start3A_66, %dma_start3A_67] : memref<32x125x80xi32, #tpu.memory_space<hbm>> -> memref<1x125x80xi32, #tpu.memory_space<hbm>>
      %dma_start3A_69 = tpu.memref_squeeze %dma_start3A_68 : memref<1x125x80xi32, #tpu.memory_space<hbm>> -> memref<125x80xi32, #tpu.memory_space<hbm>>
      tpu.enqueue_dma source(%dma_start3A_69 : memref<125x80xi32, #tpu.memory_space<hbm>>) target(%arg9 : memref<125x80xi32, #tpu.memory_space<vmem>>) target_semaphore(%run_scoped3A : memref<!tpu.dma_semaphore, #tpu.memory_space<semaphore_mem>>)
      %dma_wait3A = arith.constant 0 : i32
      %dma_wait3A_70 = arith.constant 0 : i32
      %dma_wait3A_71 = tpu.memref_slice %arg2[%add3A, %dma_wait3A, %dma_wait3A_70] : memref<32x125x80xi32, #tpu.memory_space<hbm>> -> memref<1x125x80xi32, #tpu.memory_space<hbm>>
      %dma_wait3A_72 = tpu.memref_squeeze %dma_wait3A_71 : memref<1x125x80xi32, #tpu.memory_space<hbm>> -> memref<125x80xi32, #tpu.memory_space<hbm>>
      %dma_wait3A_73 = arith.constant 0 : i32
      %dma_wait3A_74 = arith.constant 0 : i32
      %dma_wait3A_75 = tpu.memref_slice %arg2[%add3A, %dma_wait3A_73, %dma_wait3A_74] : memref<32x125x80xi32, #tpu.memory_space<hbm>> -> memref<1x125x80xi32, #tpu.memory_space<hbm>>
      %dma_wait3A_76 = tpu.memref_squeeze %dma_wait3A_75 : memref<1x125x80xi32, #tpu.memory_space<hbm>> -> memref<125x80xi32, #tpu.memory_space<hbm>>
      tpu.wait_dma2 semaphore(%run_scoped3A : memref<!tpu.dma_semaphore, #tpu.memory_space<semaphore_mem>>) src(%dma_wait3A_76 : memref<125x80xi32, #tpu.memory_space<hbm>>) dst(%arg9 : memref<125x80xi32, #tpu.memory_space<vmem>>)
      tpu.yield
    }) : () -> ()
    "tpu.region"() ({
      %run_scoped3A = tpu.sem_alloc : memref<!tpu.dma_semaphore, #tpu.memory_space<semaphore_mem>>
      %dma_start3A = arith.constant 0 : i32
      %dma_start3A_63 = arith.constant 0 : i32
      %dma_start3A_64 = tpu.memref_slice %arg3[%add3A, %dma_start3A, %dma_start3A_63] : memref<32x125x80xi32, #tpu.memory_space<hbm>> -> memref<1x125x80xi32, #tpu.memory_space<hbm>>
      %dma_start3A_65 = tpu.memref_squeeze %dma_start3A_64 : memref<1x125x80xi32, #tpu.memory_space<hbm>> -> memref<125x80xi32, #tpu.memory_space<hbm>>
      %dma_start3A_66 = arith.constant 0 : i32
      %dma_start3A_67 = arith.constant 0 : i32
      %dma_start3A_68 = tpu.memref_slice %arg3[%add3A, %dma_start3A_66, %dma_start3A_67] : memref<32x125x80xi32, #tpu.memory_space<hbm>> -> memref<1x125x80xi32, #tpu.memory_space<hbm>>
      %dma_start3A_69 = tpu.memref_squeeze %dma_start3A_68 : memref<1x125x80xi32, #tpu.memory_space<hbm>> -> memref<125x80xi32, #tpu.memory_space<hbm>>
      tpu.enqueue_dma source(%dma_start3A_69 : memref<125x80xi32, #tpu.memory_space<hbm>>) target(%arg10 : memref<125x80xi32, #tpu.memory_space<vmem>>) target_semaphore(%run_scoped3A : memref<!tpu.dma_semaphore, #tpu.memory_space<semaphore_mem>>)
      %dma_wait3A = arith.constant 0 : i32
      %dma_wait3A_70 = arith.constant 0 : i32
      %dma_wait3A_71 = tpu.memref_slice %arg3[%add3A, %dma_wait3A, %dma_wait3A_70] : memref<32x125x80xi32, #tpu.memory_space<hbm>> -> memref<1x125x80xi32, #tpu.memory_space<hbm>>
      %dma_wait3A_72 = tpu.memref_squeeze %dma_wait3A_71 : memref<1x125x80xi32, #tpu.memory_space<hbm>> -> memref<125x80xi32, #tpu.memory_space<hbm>>
      %dma_wait3A_73 = arith.constant 0 : i32
      %dma_wait3A_74 = arith.constant 0 : i32
      %dma_wait3A_75 = tpu.memref_slice %arg3[%add3A, %dma_wait3A_73, %dma_wait3A_74] : memref<32x125x80xi32, #tpu.memory_space<hbm>> -> memref<1x125x80xi32, #tpu.memory_space<hbm>>
      %dma_wait3A_76 = tpu.memref_squeeze %dma_wait3A_75 : memref<1x125x80xi32, #tpu.memory_space<hbm>> -> memref<125x80xi32, #tpu.memory_space<hbm>>
      tpu.wait_dma2 semaphore(%run_scoped3A : memref<!tpu.dma_semaphore, #tpu.memory_space<semaphore_mem>>) src(%dma_wait3A_76 : memref<125x80xi32, #tpu.memory_space<hbm>>) dst(%arg10 : memref<125x80xi32, #tpu.memory_space<vmem>>)
      tpu.yield
    }) : () -> ()
    %barrier3A = arith.constant 0 : index
    tpu.barrier barrier_id(%barrier3A)
    %scan3A = arith.constant 0 : i32
    %scan3A_42 = arith.constant 0 : i32
    %scan3A_43 = arith.constant 125 : i32
    %scan3A_44 = arith.addi %scan3A_42, %scan3A_43 : i32
    %scan3A_45 = arith.constant 1 : i32
    scf.for %scan3A_63 = %scan3A_42 to %scan3A_44 step %scan3A_45  : i32 {
      %dma_start3A = arith.constant 0 : i32
      %dma_start3A_64 = tpu.memref_slice %arg9[%scan3A_63, %dma_start3A] : memref<125x80xi32, #tpu.memory_space<vmem>> -> memref<1x80xi32, #tpu.memory_space<vmem>>
      %dma_start3A_65 = tpu.memref_squeeze %dma_start3A_64 : memref<1x80xi32, #tpu.memory_space<vmem>> -> memref<80xi32, #tpu.memory_space<vmem>>
      %dma_start3A_66 = arith.constant 0 : i32
      %dma_start3A_67 = arith.constant 0 : i32
      %dma_start3A_68 = tpu.memref_slice %arg4[%dma_start3A_66, %dma_start3A_67] : memref<10000x128xf32, #tpu.memory_space<hbm>> -> memref<10000x128xf32, #tpu.memory_space<hbm>>
      tpu.enqueue_indirect_dma source(%dma_start3A_68 : memref<10000x128xf32, #tpu.memory_space<hbm>>) target(%arg11 : memref<80x128xf32, #tpu.memory_space<vmem>>) offsets(%dma_start3A_65 : memref<80xi32, #tpu.memory_space<vmem>>) semaphore(%arg13 : memref<!tpu.dma_semaphore, #tpu.memory_space<semaphore_mem>>)
      %dma_wait3A = arith.constant 0 : i32
      %dma_wait3A_69 = tpu.memref_slice %arg9[%scan3A_63, %dma_wait3A] : memref<125x80xi32, #tpu.memory_space<vmem>> -> memref<1x80xi32, #tpu.memory_space<vmem>>
      %dma_wait3A_70 = tpu.memref_squeeze %dma_wait3A_69 : memref<1x80xi32, #tpu.memory_space<vmem>> -> memref<80xi32, #tpu.memory_space<vmem>>
      %dma_wait3A_71 = arith.constant 0 : i32
      %dma_wait3A_72 = arith.constant 0 : i32
      %dma_wait3A_73 = tpu.memref_slice %arg4[%dma_wait3A_71, %dma_wait3A_72] : memref<10000x128xf32, #tpu.memory_space<hbm>> -> memref<10000x128xf32, #tpu.memory_space<hbm>>
      tpu.wait_indirect_dma semaphore(%arg13 : memref<!tpu.dma_semaphore, #tpu.memory_space<semaphore_mem>>) src(%dma_wait3A_73 : memref<10000x128xf32, #tpu.memory_space<hbm>>) dst(%arg11 : memref<80x128xf32, #tpu.memory_space<vmem>>)
      "tpu.region"() ({
        %run_scoped3A = tpu.sem_alloc : memref<!tpu.dma_semaphore, #tpu.memory_space<semaphore_mem>>
        %dma_start3A_74 = arith.constant 0 : i32
        %dma_start3A_75 = tpu.memref_slice %arg10[%scan3A_63, %dma_start3A_74] : memref<125x80xi32, #tpu.memory_space<vmem>> -> memref<1x80xi32, #tpu.memory_space<vmem>>
        %dma_start3A_76 = tpu.memref_squeeze %dma_start3A_75 : memref<1x80xi32, #tpu.memory_space<vmem>> -> memref<80xi32, #tpu.memory_space<vmem>>
        %dma_start3A_77 = arith.constant 0 : i32
        %dma_start3A_78 = arith.constant 0 : i32
        %dma_start3A_79 = tpu.memref_slice %arg12[%dma_start3A_77, %dma_start3A_78] : memref<10000x128xf32, #tpu.memory_space<vmem_shared>> -> memref<10000x128xf32, #tpu.memory_space<vmem_shared>>
        tpu.enqueue_indirect_dma source(%arg11 : memref<80x128xf32, #tpu.memory_space<vmem>>) target(%dma_start3A_79 : memref<10000x128xf32, #tpu.memory_space<vmem_shared>>) offsets(%dma_start3A_76 : memref<80xi32, #tpu.memory_space<vmem>>) semaphore(%run_scoped3A : memref<!tpu.dma_semaphore, #tpu.memory_space<semaphore_mem>>) {add = true}
        %dma_wait3A_80 = arith.constant 0 : i32
        %dma_wait3A_81 = tpu.memref_slice %arg10[%scan3A_63, %dma_wait3A_80] : memref<125x80xi32, #tpu.memory_space<vmem>> -> memref<1x80xi32, #tpu.memory_space<vmem>>
        %dma_wait3A_82 = tpu.memref_squeeze %dma_wait3A_81 : memref<1x80xi32, #tpu.memory_space<vmem>> -> memref<80xi32, #tpu.memory_space<vmem>>
        %dma_wait3A_83 = arith.constant 0 : i32
        %dma_wait3A_84 = arith.constant 0 : i32
        %dma_wait3A_85 = tpu.memref_slice %arg12[%dma_wait3A_83, %dma_wait3A_84] : memref<10000x128xf32, #tpu.memory_space<vmem_shared>> -> memref<10000x128xf32, #tpu.memory_space<vmem_shared>>
        tpu.wait_indirect_dma semaphore(%run_scoped3A : memref<!tpu.dma_semaphore, #tpu.memory_space<semaphore_mem>>) src(%arg11 : memref<80x128xf32, #tpu.memory_space<vmem>>) dst(%dma_wait3A_85 : memref<10000x128xf32, #tpu.memory_space<vmem_shared>>)
        tpu.yield
      }) : () -> ()
      "tpu.region"() ({
        %run_scoped3A = tpu.sem_alloc : memref<!tpu.dma_semaphore, #tpu.memory_space<semaphore_mem>>
        %dma_start3A_74 = arith.constant 0 : i32
        %dma_start3A_75 = tpu.memref_slice %arg10[%scan3A_63, %dma_start3A_74] : memref<125x80xi32, #tpu.memory_space<vmem>> -> memref<1x80xi32, #tpu.memory_space<vmem>>
        %dma_start3A_76 = tpu.memref_squeeze %dma_start3A_75 : memref<1x80xi32, #tpu.memory_space<vmem>> -> memref<80xi32, #tpu.memory_space<vmem>>
        %dma_start3A_77 = arith.constant 0 : i32
        %dma_start3A_78 = tpu.memref_slice %arg15[%dma_start3A_77] : memref<10000xf32, #tpu.memory_space<vmem_shared>> -> memref<10000xf32, #tpu.memory_space<vmem_shared>>
        tpu.enqueue_indirect_dma source(%arg14 : memref<80xf32, #tpu.memory_space<vmem>>) target(%dma_start3A_78 : memref<10000xf32, #tpu.memory_space<vmem_shared>>) offsets(%dma_start3A_76 : memref<80xi32, #tpu.memory_space<vmem>>) semaphore(%run_scoped3A : memref<!tpu.dma_semaphore, #tpu.memory_space<semaphore_mem>>) {add = true}
        %dma_wait3A_79 = arith.constant 0 : i32
        %dma_wait3A_80 = tpu.memref_slice %arg10[%scan3A_63, %dma_wait3A_79] : memref<125x80xi32, #tpu.memory_space<vmem>> -> memref<1x80xi32, #tpu.memory_space<vmem>>
        %dma_wait3A_81 = tpu.memref_squeeze %dma_wait3A_80 : memref<1x80xi32, #tpu.memory_space<vmem>> -> memref<80xi32, #tpu.memory_space<vmem>>
        %dma_wait3A_82 = arith.constant 0 : i32
        %dma_wait3A_83 = tpu.memref_slice %arg15[%dma_wait3A_82] : memref<10000xf32, #tpu.memory_space<vmem_shared>> -> memref<10000xf32, #tpu.memory_space<vmem_shared>>
        tpu.wait_indirect_dma semaphore(%run_scoped3A : memref<!tpu.dma_semaphore, #tpu.memory_space<semaphore_mem>>) src(%arg14 : memref<80xf32, #tpu.memory_space<vmem>>) dst(%dma_wait3A_83 : memref<10000xf32, #tpu.memory_space<vmem_shared>>)
        tpu.yield
      }) : () -> ()
    }
    %scan3A_46 = arith.constant 125 : i32
    %barrier3A_47 = arith.constant 0 : index
    tpu.barrier barrier_id(%barrier3A_47)
    %lt3A_48 = arith.constant 15 : i32
    %lt3A_49 = arith.cmpi slt, %arg1, %lt3A_48 : i32
    %convert_element_type3A_50 = arith.extui %lt3A_49 : i1 to i32
    %cond3A_51 = arith.constant 0 : i32
    %cond3A_52 = arith.cmpi ne, %convert_element_type3A_50, %cond3A_51 : i32
    scf.if %cond3A_52 {
      "tpu.region"() ({
        %run_scoped3A = tpu.sem_alloc : memref<!tpu.dma_semaphore, #tpu.memory_space<semaphore_mem>>
        %dma_start3A = arith.constant 0 : i32
        %dma_start3A_63 = tpu.memref_slice %arg7[%arg0, %mul3A_2, %dma_start3A] : memref<2x10000x128xf32, #tpu.memory_space<hbm>> -> memref<1x624x128xf32, #tpu.memory_space<hbm>>
        %dma_start3A_64 = tpu.memref_squeeze %dma_start3A_63 : memref<1x624x128xf32, #tpu.memory_space<hbm>> -> memref<624x128xf32, #tpu.memory_space<hbm>>
        %dma_start3A_65 = arith.constant 0 : i32
        %dma_start3A_66 = tpu.memref_slice %arg12[%mul3A_2, %dma_start3A_65] : memref<10000x128xf32, #tpu.memory_space<vmem_shared>> -> memref<624x128xf32, #tpu.memory_space<vmem_shared>>
        tpu.enqueue_dma source(%dma_start3A_66 : memref<624x128xf32, #tpu.memory_space<vmem_shared>>) target(%dma_start3A_64 : memref<624x128xf32, #tpu.memory_space<hbm>>) target_semaphore(%run_scoped3A : memref<!tpu.dma_semaphore, #tpu.memory_space<semaphore_mem>>)
        %dma_wait3A = arith.constant 0 : i32
        %dma_wait3A_67 = tpu.memref_slice %arg7[%arg0, %mul3A_2, %dma_wait3A] : memref<2x10000x128xf32, #tpu.memory_space<hbm>> -> memref<1x624x128xf32, #tpu.memory_space<hbm>>
        %dma_wait3A_68 = tpu.memref_squeeze %dma_wait3A_67 : memref<1x624x128xf32, #tpu.memory_space<hbm>> -> memref<624x128xf32, #tpu.memory_space<hbm>>
        %dma_wait3A_69 = arith.constant 0 : i32
        %dma_wait3A_70 = tpu.memref_slice %arg12[%mul3A_2, %dma_wait3A_69] : memref<10000x128xf32, #tpu.memory_space<vmem_shared>> -> memref<624x128xf32, #tpu.memory_space<vmem_shared>>
        tpu.wait_dma2 semaphore(%run_scoped3A : memref<!tpu.dma_semaphore, #tpu.memory_space<semaphore_mem>>) src(%dma_wait3A_70 : memref<624x128xf32, #tpu.memory_space<vmem_shared>>) dst(%dma_wait3A_68 : memref<624x128xf32, #tpu.memory_space<hbm>>)
        tpu.yield
      }) : () -> ()
    } else {
    }
    %eq3A_53 = arith.constant 15 : i32
    %eq3A_54 = arith.cmpi eq, %arg1, %eq3A_53 : i32
    %convert_element_type3A_55 = arith.extui %eq3A_54 : i1 to i32
    %cond3A_56 = arith.constant 0 : i32
    %cond3A_57 = arith.cmpi ne, %convert_element_type3A_55, %cond3A_56 : i32
    scf.if %cond3A_57 {
      "tpu.region"() ({
        %run_scoped3A = tpu.sem_alloc : memref<!tpu.dma_semaphore, #tpu.memory_space<semaphore_mem>>
        %dma_start3A = arith.constant 9360 : i32
        %dma_start3A_63 = arith.constant 0 : i32
        %dma_start3A_64 = tpu.memref_slice %arg7[%arg0, %dma_start3A, %dma_start3A_63] : memref<2x10000x128xf32, #tpu.memory_space<hbm>> -> memref<1x640x128xf32, #tpu.memory_space<hbm>>
        %dma_start3A_65 = tpu.memref_squeeze %dma_start3A_64 : memref<1x640x128xf32, #tpu.memory_space<hbm>> -> memref<640x128xf32, #tpu.memory_space<hbm>>
        %dma_start3A_66 = arith.constant 9360 : i32
        %dma_start3A_67 = arith.constant 0 : i32
        %dma_start3A_68 = tpu.memref_slice %arg12[%dma_start3A_66, %dma_start3A_67] : memref<10000x128xf32, #tpu.memory_space<vmem_shared>> -> memref<640x128xf32, #tpu.memory_space<vmem_shared>>
        tpu.enqueue_dma source(%dma_start3A_68 : memref<640x128xf32, #tpu.memory_space<vmem_shared>>) target(%dma_start3A_65 : memref<640x128xf32, #tpu.memory_space<hbm>>) target_semaphore(%run_scoped3A : memref<!tpu.dma_semaphore, #tpu.memory_space<semaphore_mem>>)
        %dma_wait3A = arith.constant 9360 : i32
        %dma_wait3A_69 = arith.constant 0 : i32
        %dma_wait3A_70 = tpu.memref_slice %arg7[%arg0, %dma_wait3A, %dma_wait3A_69] : memref<2x10000x128xf32, #tpu.memory_space<hbm>> -> memref<1x640x128xf32, #tpu.memory_space<hbm>>
        %dma_wait3A_71 = tpu.memref_squeeze %dma_wait3A_70 : memref<1x640x128xf32, #tpu.memory_space<hbm>> -> memref<640x128xf32, #tpu.memory_space<hbm>>
        %dma_wait3A_72 = arith.constant 9360 : i32
        %dma_wait3A_73 = arith.constant 0 : i32
        %dma_wait3A_74 = tpu.memref_slice %arg12[%dma_wait3A_72, %dma_wait3A_73] : memref<10000x128xf32, #tpu.memory_space<vmem_shared>> -> memref<640x128xf32, #tpu.memory_space<vmem_shared>>
        tpu.wait_dma2 semaphore(%run_scoped3A : memref<!tpu.dma_semaphore, #tpu.memory_space<semaphore_mem>>) src(%dma_wait3A_74 : memref<640x128xf32, #tpu.memory_space<vmem_shared>>) dst(%dma_wait3A_71 : memref<640x128xf32, #tpu.memory_space<hbm>>)
        tpu.yield
      }) : () -> ()
    } else {
    }
    %lt3A_58 = arith.constant 2 : i32
    %lt3A_59 = arith.cmpi slt, %arg1, %lt3A_58 : i32
    %convert_element_type3A_60 = arith.extui %lt3A_59 : i1 to i32
    %cond3A_61 = arith.constant 0 : i32
    %cond3A_62 = arith.cmpi ne, %convert_element_type3A_60, %cond3A_61 : i32
    scf.if %cond3A_62 {
      %mul3A_63 = arith.constant 5000 : i32
      %mul3A_64 = arith.muli %arg1, %mul3A_63 : i32
      "tpu.region"() ({
        %run_scoped3A = tpu.sem_alloc : memref<!tpu.dma_semaphore, #tpu.memory_space<semaphore_mem>>
        %dma_start3A = tpu.memref_slice %arg15[%mul3A_64] : memref<10000xf32, #tpu.memory_space<vmem_shared>> -> memref<5000xf32, #tpu.memory_space<vmem_shared>>
        %dma_start3A_70 = tpu.memref_slice %arg15[%mul3A_64] : memref<10000xf32, #tpu.memory_space<vmem_shared>> -> memref<5000xf32, #tpu.memory_space<vmem_shared>>
        tpu.enqueue_dma source(%dma_start3A_70 : memref<5000xf32, #tpu.memory_space<vmem_shared>>) target(%arg16 : memref<5000xf32, #tpu.memory_space<vmem>>) target_semaphore(%run_scoped3A : memref<!tpu.dma_semaphore, #tpu.memory_space<semaphore_mem>>)
        %dma_wait3A = tpu.memref_slice %arg15[%mul3A_64] : memref<10000xf32, #tpu.memory_space<vmem_shared>> -> memref<5000xf32, #tpu.memory_space<vmem_shared>>
        %dma_wait3A_71 = tpu.memref_slice %arg15[%mul3A_64] : memref<10000xf32, #tpu.memory_space<vmem_shared>> -> memref<5000xf32, #tpu.memory_space<vmem_shared>>
        tpu.wait_dma2 semaphore(%run_scoped3A : memref<!tpu.dma_semaphore, #tpu.memory_space<semaphore_mem>>) src(%dma_wait3A_71 : memref<5000xf32, #tpu.memory_space<vmem_shared>>) dst(%arg16 : memref<5000xf32, #tpu.memory_space<vmem>>)
        tpu.yield
      }) : () -> ()
      %mul3A_65 = arith.constant 10000 : i32
      %mul3A_66 = arith.muli %arg0, %mul3A_65 : i32
      %mul3A_67 = arith.constant 5000 : i32
      %mul3A_68 = arith.muli %arg1, %mul3A_67 : i32
      %add3A_69 = arith.addi %mul3A_66, %mul3A_68 : i32
      "tpu.region"() ({
        %run_scoped3A = tpu.sem_alloc : memref<!tpu.dma_semaphore, #tpu.memory_space<semaphore_mem>>
        %dma_start3A = tpu.memref_slice %arg8[%add3A_69] : memref<20000xf32, #tpu.memory_space<hbm>> -> memref<5000xf32, #tpu.memory_space<hbm>>
        %dma_start3A_70 = tpu.memref_slice %arg8[%add3A_69] : memref<20000xf32, #tpu.memory_space<hbm>> -> memref<5000xf32, #tpu.memory_space<hbm>>
        tpu.enqueue_dma source(%arg16 : memref<5000xf32, #tpu.memory_space<vmem>>) target(%dma_start3A_70 : memref<5000xf32, #tpu.memory_space<hbm>>) target_semaphore(%run_scoped3A : memref<!tpu.dma_semaphore, #tpu.memory_space<semaphore_mem>>)
        %dma_wait3A = tpu.memref_slice %arg8[%add3A_69] : memref<20000xf32, #tpu.memory_space<hbm>> -> memref<5000xf32, #tpu.memory_space<hbm>>
        %dma_wait3A_71 = tpu.memref_slice %arg8[%add3A_69] : memref<20000xf32, #tpu.memory_space<hbm>> -> memref<5000xf32, #tpu.memory_space<hbm>>
        tpu.wait_dma2 semaphore(%run_scoped3A : memref<!tpu.dma_semaphore, #tpu.memory_space<semaphore_mem>>) src(%arg16 : memref<5000xf32, #tpu.memory_space<vmem>>) dst(%dma_wait3A_71 : memref<5000xf32, #tpu.memory_space<hbm>>)
        tpu.yield
      }) : () -> ()
    } else {
    }
    return
  }
}

#map = affine_map<(d0, d1) -> (0, 0, 0)>
#map1 = affine_map<(d0, d1) -> (0, 0)>
#map2 = affine_map<(d0, d1) -> (0)>
module attributes {stable_mosaic.version = 14 : i64} {
  func.func @body(%arg0: i32, %arg1: i32, %arg2: memref<32x125x80xi32, #tpu.memory_space<hbm>>, %arg3: memref<32x125x80xi32, #tpu.memory_space<hbm>>, %arg4: memref<10000x128xf32, #tpu.memory_space<hbm>>, %arg5: memref<10000x128xf32, #tpu.memory_space<hbm>>, %arg6: memref<10000xf32, #tpu.memory_space<hbm>>, %arg7: memref<2x10000x128xf32, #tpu.memory_space<hbm>>, %arg8: memref<125x80xi32, #tpu.memory_space<vmem>>, %arg9: memref<125x80xi32, #tpu.memory_space<vmem>>, %arg10: memref<80x128xf32, #tpu.memory_space<vmem>>, %arg11: memref<10000x128xf32, #tpu.memory_space<vmem_shared>>, %arg12: memref<!tpu.dma_semaphore, #tpu.memory_space<semaphore_mem>>) attributes {dimension_semantics = [#tpu.dimension_semantics<core_parallel>, #tpu.dimension_semantics<subcore_parallel>], iteration_bounds = array<i64: 2, 16>, scalar_prefetch = 0 : i64, scratch_operands = 5 : i64, tpu.core_type = #tpu.core_type<sc_vector_subcore>, window_params = [{transform_indices = #map}, {transform_indices = #map}, {transform_indices = #map1}, {transform_indices = #map1}, {transform_indices = #map2}, {transform_indices = #map}]} {
    %mul3A = arith.constant 16 : i32
    %mul3A_0 = arith.muli %arg0, %mul3A : i32
    %add3A = arith.addi %mul3A_0, %arg1 : i32
    %mul3A_1 = arith.constant 624 : i32
    %mul3A_2 = arith.muli %arg1, %mul3A_1 : i32
    %lt3A = arith.constant 15 : i32
    %lt3A_3 = arith.cmpi slt, %arg1, %lt3A : i32
    %convert_element_type3A = arith.extui %lt3A_3 : i1 to i32
    %cond3A = arith.constant 0 : i32
    %cond3A_4 = arith.cmpi ne, %convert_element_type3A, %cond3A : i32
    scf.if %cond3A_4 {
      "tpu.region"() ({
        %run_scoped3A = tpu.sem_alloc : memref<!tpu.dma_semaphore, #tpu.memory_space<semaphore_mem>>
        %dma_start3A = arith.constant 0 : i32
        %dma_start3A_25 = tpu.memref_slice %arg11[%mul3A_2, %dma_start3A] : memref<10000x128xf32, #tpu.memory_space<vmem_shared>> -> memref<624x128xf32, #tpu.memory_space<vmem_shared>>
        %dma_start3A_26 = arith.constant 0 : i32
        %dma_start3A_27 = tpu.memref_slice %arg5[%mul3A_2, %dma_start3A_26] : memref<10000x128xf32, #tpu.memory_space<hbm>> -> memref<624x128xf32, #tpu.memory_space<hbm>>
        tpu.enqueue_dma source(%dma_start3A_27 : memref<624x128xf32, #tpu.memory_space<hbm>>) target(%dma_start3A_25 : memref<624x128xf32, #tpu.memory_space<vmem_shared>>) target_semaphore(%run_scoped3A : memref<!tpu.dma_semaphore, #tpu.memory_space<semaphore_mem>>)
        %dma_wait3A = arith.constant 0 : i32
        %dma_wait3A_28 = tpu.memref_slice %arg11[%mul3A_2, %dma_wait3A] : memref<10000x128xf32, #tpu.memory_space<vmem_shared>> -> memref<624x128xf32, #tpu.memory_space<vmem_shared>>
        %dma_wait3A_29 = arith.constant 0 : i32
        %dma_wait3A_30 = tpu.memref_slice %arg5[%mul3A_2, %dma_wait3A_29] : memref<10000x128xf32, #tpu.memory_space<hbm>> -> memref<624x128xf32, #tpu.memory_space<hbm>>
        tpu.wait_dma2 semaphore(%run_scoped3A : memref<!tpu.dma_semaphore, #tpu.memory_space<semaphore_mem>>) src(%dma_wait3A_30 : memref<624x128xf32, #tpu.memory_space<hbm>>) dst(%dma_wait3A_28 : memref<624x128xf32, #tpu.memory_space<vmem_shared>>)
        tpu.yield
      }) : () -> ()
    } else {
    }
    %eq3A = arith.constant 15 : i32
    %eq3A_5 = arith.cmpi eq, %arg1, %eq3A : i32
    %convert_element_type3A_6 = arith.extui %eq3A_5 : i1 to i32
    %cond3A_7 = arith.constant 0 : i32
    %cond3A_8 = arith.cmpi ne, %convert_element_type3A_6, %cond3A_7 : i32
    scf.if %cond3A_8 {
      "tpu.region"() ({
        %run_scoped3A = tpu.sem_alloc : memref<!tpu.dma_semaphore, #tpu.memory_space<semaphore_mem>>
        %dma_start3A = arith.constant 9360 : i32
        %dma_start3A_25 = arith.constant 0 : i32
        %dma_start3A_26 = tpu.memref_slice %arg11[%dma_start3A, %dma_start3A_25] : memref<10000x128xf32, #tpu.memory_space<vmem_shared>> -> memref<640x128xf32, #tpu.memory_space<vmem_shared>>
        %dma_start3A_27 = arith.constant 9360 : i32
        %dma_start3A_28 = arith.constant 0 : i32
        %dma_start3A_29 = tpu.memref_slice %arg5[%dma_start3A_27, %dma_start3A_28] : memref<10000x128xf32, #tpu.memory_space<hbm>> -> memref<640x128xf32, #tpu.memory_space<hbm>>
        tpu.enqueue_dma source(%dma_start3A_29 : memref<640x128xf32, #tpu.memory_space<hbm>>) target(%dma_start3A_26 : memref<640x128xf32, #tpu.memory_space<vmem_shared>>) target_semaphore(%run_scoped3A : memref<!tpu.dma_semaphore, #tpu.memory_space<semaphore_mem>>)
        %dma_wait3A = arith.constant 9360 : i32
        %dma_wait3A_30 = arith.constant 0 : i32
        %dma_wait3A_31 = tpu.memref_slice %arg11[%dma_wait3A, %dma_wait3A_30] : memref<10000x128xf32, #tpu.memory_space<vmem_shared>> -> memref<640x128xf32, #tpu.memory_space<vmem_shared>>
        %dma_wait3A_32 = arith.constant 9360 : i32
        %dma_wait3A_33 = arith.constant 0 : i32
        %dma_wait3A_34 = tpu.memref_slice %arg5[%dma_wait3A_32, %dma_wait3A_33] : memref<10000x128xf32, #tpu.memory_space<hbm>> -> memref<640x128xf32, #tpu.memory_space<hbm>>
        tpu.wait_dma2 semaphore(%run_scoped3A : memref<!tpu.dma_semaphore, #tpu.memory_space<semaphore_mem>>) src(%dma_wait3A_34 : memref<640x128xf32, #tpu.memory_space<hbm>>) dst(%dma_wait3A_31 : memref<640x128xf32, #tpu.memory_space<vmem_shared>>)
        tpu.yield
      }) : () -> ()
    } else {
    }
    "tpu.region"() ({
      %run_scoped3A = tpu.sem_alloc : memref<!tpu.dma_semaphore, #tpu.memory_space<semaphore_mem>>
      %dma_start3A = arith.constant 0 : i32
      %dma_start3A_25 = arith.constant 0 : i32
      %dma_start3A_26 = tpu.memref_slice %arg2[%add3A, %dma_start3A, %dma_start3A_25] : memref<32x125x80xi32, #tpu.memory_space<hbm>> -> memref<1x125x80xi32, #tpu.memory_space<hbm>>
      %dma_start3A_27 = tpu.memref_squeeze %dma_start3A_26 : memref<1x125x80xi32, #tpu.memory_space<hbm>> -> memref<125x80xi32, #tpu.memory_space<hbm>>
      %dma_start3A_28 = arith.constant 0 : i32
      %dma_start3A_29 = arith.constant 0 : i32
      %dma_start3A_30 = tpu.memref_slice %arg2[%add3A, %dma_start3A_28, %dma_start3A_29] : memref<32x125x80xi32, #tpu.memory_space<hbm>> -> memref<1x125x80xi32, #tpu.memory_space<hbm>>
      %dma_start3A_31 = tpu.memref_squeeze %dma_start3A_30 : memref<1x125x80xi32, #tpu.memory_space<hbm>> -> memref<125x80xi32, #tpu.memory_space<hbm>>
      tpu.enqueue_dma source(%dma_start3A_31 : memref<125x80xi32, #tpu.memory_space<hbm>>) target(%arg8 : memref<125x80xi32, #tpu.memory_space<vmem>>) target_semaphore(%run_scoped3A : memref<!tpu.dma_semaphore, #tpu.memory_space<semaphore_mem>>)
      %dma_wait3A = arith.constant 0 : i32
      %dma_wait3A_32 = arith.constant 0 : i32
      %dma_wait3A_33 = tpu.memref_slice %arg2[%add3A, %dma_wait3A, %dma_wait3A_32] : memref<32x125x80xi32, #tpu.memory_space<hbm>> -> memref<1x125x80xi32, #tpu.memory_space<hbm>>
      %dma_wait3A_34 = tpu.memref_squeeze %dma_wait3A_33 : memref<1x125x80xi32, #tpu.memory_space<hbm>> -> memref<125x80xi32, #tpu.memory_space<hbm>>
      %dma_wait3A_35 = arith.constant 0 : i32
      %dma_wait3A_36 = arith.constant 0 : i32
      %dma_wait3A_37 = tpu.memref_slice %arg2[%add3A, %dma_wait3A_35, %dma_wait3A_36] : memref<32x125x80xi32, #tpu.memory_space<hbm>> -> memref<1x125x80xi32, #tpu.memory_space<hbm>>
      %dma_wait3A_38 = tpu.memref_squeeze %dma_wait3A_37 : memref<1x125x80xi32, #tpu.memory_space<hbm>> -> memref<125x80xi32, #tpu.memory_space<hbm>>
      tpu.wait_dma2 semaphore(%run_scoped3A : memref<!tpu.dma_semaphore, #tpu.memory_space<semaphore_mem>>) src(%dma_wait3A_38 : memref<125x80xi32, #tpu.memory_space<hbm>>) dst(%arg8 : memref<125x80xi32, #tpu.memory_space<vmem>>)
      tpu.yield
    }) : () -> ()
    "tpu.region"() ({
      %run_scoped3A = tpu.sem_alloc : memref<!tpu.dma_semaphore, #tpu.memory_space<semaphore_mem>>
      %dma_start3A = arith.constant 0 : i32
      %dma_start3A_25 = arith.constant 0 : i32
      %dma_start3A_26 = tpu.memref_slice %arg3[%add3A, %dma_start3A, %dma_start3A_25] : memref<32x125x80xi32, #tpu.memory_space<hbm>> -> memref<1x125x80xi32, #tpu.memory_space<hbm>>
      %dma_start3A_27 = tpu.memref_squeeze %dma_start3A_26 : memref<1x125x80xi32, #tpu.memory_space<hbm>> -> memref<125x80xi32, #tpu.memory_space<hbm>>
      %dma_start3A_28 = arith.constant 0 : i32
      %dma_start3A_29 = arith.constant 0 : i32
      %dma_start3A_30 = tpu.memref_slice %arg3[%add3A, %dma_start3A_28, %dma_start3A_29] : memref<32x125x80xi32, #tpu.memory_space<hbm>> -> memref<1x125x80xi32, #tpu.memory_space<hbm>>
      %dma_start3A_31 = tpu.memref_squeeze %dma_start3A_30 : memref<1x125x80xi32, #tpu.memory_space<hbm>> -> memref<125x80xi32, #tpu.memory_space<hbm>>
      tpu.enqueue_dma source(%dma_start3A_31 : memref<125x80xi32, #tpu.memory_space<hbm>>) target(%arg9 : memref<125x80xi32, #tpu.memory_space<vmem>>) target_semaphore(%run_scoped3A : memref<!tpu.dma_semaphore, #tpu.memory_space<semaphore_mem>>)
      %dma_wait3A = arith.constant 0 : i32
      %dma_wait3A_32 = arith.constant 0 : i32
      %dma_wait3A_33 = tpu.memref_slice %arg3[%add3A, %dma_wait3A, %dma_wait3A_32] : memref<32x125x80xi32, #tpu.memory_space<hbm>> -> memref<1x125x80xi32, #tpu.memory_space<hbm>>
      %dma_wait3A_34 = tpu.memref_squeeze %dma_wait3A_33 : memref<1x125x80xi32, #tpu.memory_space<hbm>> -> memref<125x80xi32, #tpu.memory_space<hbm>>
      %dma_wait3A_35 = arith.constant 0 : i32
      %dma_wait3A_36 = arith.constant 0 : i32
      %dma_wait3A_37 = tpu.memref_slice %arg3[%add3A, %dma_wait3A_35, %dma_wait3A_36] : memref<32x125x80xi32, #tpu.memory_space<hbm>> -> memref<1x125x80xi32, #tpu.memory_space<hbm>>
      %dma_wait3A_38 = tpu.memref_squeeze %dma_wait3A_37 : memref<1x125x80xi32, #tpu.memory_space<hbm>> -> memref<125x80xi32, #tpu.memory_space<hbm>>
      tpu.wait_dma2 semaphore(%run_scoped3A : memref<!tpu.dma_semaphore, #tpu.memory_space<semaphore_mem>>) src(%dma_wait3A_38 : memref<125x80xi32, #tpu.memory_space<hbm>>) dst(%arg9 : memref<125x80xi32, #tpu.memory_space<vmem>>)
      tpu.yield
    }) : () -> ()
    %barrier3A = arith.constant 0 : index
    tpu.barrier barrier_id(%barrier3A)
    %scan3A = arith.constant 0 : i32
    %scan3A_9 = arith.constant 0 : i32
    %scan3A_10 = arith.constant 125 : i32
    %scan3A_11 = arith.addi %scan3A_9, %scan3A_10 : i32
    %scan3A_12 = arith.constant 1 : i32
    scf.for %scan3A_25 = %scan3A_9 to %scan3A_11 step %scan3A_12  : i32 {
      %dma_start3A = arith.constant 0 : i32
      %dma_start3A_26 = tpu.memref_slice %arg8[%scan3A_25, %dma_start3A] : memref<125x80xi32, #tpu.memory_space<vmem>> -> memref<1x80xi32, #tpu.memory_space<vmem>>
      %dma_start3A_27 = tpu.memref_squeeze %dma_start3A_26 : memref<1x80xi32, #tpu.memory_space<vmem>> -> memref<80xi32, #tpu.memory_space<vmem>>
      %dma_start3A_28 = arith.constant 0 : i32
      %dma_start3A_29 = arith.constant 0 : i32
      %dma_start3A_30 = tpu.memref_slice %arg4[%dma_start3A_28, %dma_start3A_29] : memref<10000x128xf32, #tpu.memory_space<hbm>> -> memref<10000x128xf32, #tpu.memory_space<hbm>>
      tpu.enqueue_indirect_dma source(%dma_start3A_30 : memref<10000x128xf32, #tpu.memory_space<hbm>>) target(%arg10 : memref<80x128xf32, #tpu.memory_space<vmem>>) offsets(%dma_start3A_27 : memref<80xi32, #tpu.memory_space<vmem>>) semaphore(%arg12 : memref<!tpu.dma_semaphore, #tpu.memory_space<semaphore_mem>>)
      %dma_wait3A = arith.constant 0 : i32
      %dma_wait3A_31 = tpu.memref_slice %arg8[%scan3A_25, %dma_wait3A] : memref<125x80xi32, #tpu.memory_space<vmem>> -> memref<1x80xi32, #tpu.memory_space<vmem>>
      %dma_wait3A_32 = tpu.memref_squeeze %dma_wait3A_31 : memref<1x80xi32, #tpu.memory_space<vmem>> -> memref<80xi32, #tpu.memory_space<vmem>>
      %dma_wait3A_33 = arith.constant 0 : i32
      %dma_wait3A_34 = arith.constant 0 : i32
      %dma_wait3A_35 = tpu.memref_slice %arg4[%dma_wait3A_33, %dma_wait3A_34] : memref<10000x128xf32, #tpu.memory_space<hbm>> -> memref<10000x128xf32, #tpu.memory_space<hbm>>
      tpu.wait_indirect_dma semaphore(%arg12 : memref<!tpu.dma_semaphore, #tpu.memory_space<semaphore_mem>>) src(%dma_wait3A_35 : memref<10000x128xf32, #tpu.memory_space<hbm>>) dst(%arg10 : memref<80x128xf32, #tpu.memory_space<vmem>>)
      "tpu.region"() ({
        %run_scoped3A = tpu.sem_alloc : memref<!tpu.dma_semaphore, #tpu.memory_space<semaphore_mem>>
        %dma_start3A_36 = arith.constant 0 : i32
        %dma_start3A_37 = tpu.memref_slice %arg9[%scan3A_25, %dma_start3A_36] : memref<125x80xi32, #tpu.memory_space<vmem>> -> memref<1x80xi32, #tpu.memory_space<vmem>>
        %dma_start3A_38 = tpu.memref_squeeze %dma_start3A_37 : memref<1x80xi32, #tpu.memory_space<vmem>> -> memref<80xi32, #tpu.memory_space<vmem>>
        %dma_start3A_39 = arith.constant 0 : i32
        %dma_start3A_40 = arith.constant 0 : i32
        %dma_start3A_41 = tpu.memref_slice %arg11[%dma_start3A_39, %dma_start3A_40] : memref<10000x128xf32, #tpu.memory_space<vmem_shared>> -> memref<10000x128xf32, #tpu.memory_space<vmem_shared>>
        tpu.enqueue_indirect_dma source(%arg10 : memref<80x128xf32, #tpu.memory_space<vmem>>) target(%dma_start3A_41 : memref<10000x128xf32, #tpu.memory_space<vmem_shared>>) offsets(%dma_start3A_38 : memref<80xi32, #tpu.memory_space<vmem>>) semaphore(%run_scoped3A : memref<!tpu.dma_semaphore, #tpu.memory_space<semaphore_mem>>) {add = true}
        %dma_wait3A_42 = arith.constant 0 : i32
        %dma_wait3A_43 = tpu.memref_slice %arg9[%scan3A_25, %dma_wait3A_42] : memref<125x80xi32, #tpu.memory_space<vmem>> -> memref<1x80xi32, #tpu.memory_space<vmem>>
        %dma_wait3A_44 = tpu.memref_squeeze %dma_wait3A_43 : memref<1x80xi32, #tpu.memory_space<vmem>> -> memref<80xi32, #tpu.memory_space<vmem>>
        %dma_wait3A_45 = arith.constant 0 : i32
        %dma_wait3A_46 = arith.constant 0 : i32
        %dma_wait3A_47 = tpu.memref_slice %arg11[%dma_wait3A_45, %dma_wait3A_46] : memref<10000x128xf32, #tpu.memory_space<vmem_shared>> -> memref<10000x128xf32, #tpu.memory_space<vmem_shared>>
        tpu.wait_indirect_dma semaphore(%run_scoped3A : memref<!tpu.dma_semaphore, #tpu.memory_space<semaphore_mem>>) src(%arg10 : memref<80x128xf32, #tpu.memory_space<vmem>>) dst(%dma_wait3A_47 : memref<10000x128xf32, #tpu.memory_space<vmem_shared>>)
        tpu.yield
      }) : () -> ()
    }
    %scan3A_13 = arith.constant 125 : i32
    %barrier3A_14 = arith.constant 0 : index
    tpu.barrier barrier_id(%barrier3A_14)
    %lt3A_15 = arith.constant 15 : i32
    %lt3A_16 = arith.cmpi slt, %arg1, %lt3A_15 : i32
    %convert_element_type3A_17 = arith.extui %lt3A_16 : i1 to i32
    %cond3A_18 = arith.constant 0 : i32
    %cond3A_19 = arith.cmpi ne, %convert_element_type3A_17, %cond3A_18 : i32
    scf.if %cond3A_19 {
      "tpu.region"() ({
        %run_scoped3A = tpu.sem_alloc : memref<!tpu.dma_semaphore, #tpu.memory_space<semaphore_mem>>
        %dma_start3A = arith.constant 0 : i32
        %dma_start3A_25 = tpu.memref_slice %arg7[%arg0, %mul3A_2, %dma_start3A] : memref<2x10000x128xf32, #tpu.memory_space<hbm>> -> memref<1x624x128xf32, #tpu.memory_space<hbm>>
        %dma_start3A_26 = tpu.memref_squeeze %dma_start3A_25 : memref<1x624x128xf32, #tpu.memory_space<hbm>> -> memref<624x128xf32, #tpu.memory_space<hbm>>
        %dma_start3A_27 = arith.constant 0 : i32
        %dma_start3A_28 = tpu.memref_slice %arg11[%mul3A_2, %dma_start3A_27] : memref<10000x128xf32, #tpu.memory_space<vmem_shared>> -> memref<624x128xf32, #tpu.memory_space<vmem_shared>>
        tpu.enqueue_dma source(%dma_start3A_28 : memref<624x128xf32, #tpu.memory_space<vmem_shared>>) target(%dma_start3A_26 : memref<624x128xf32, #tpu.memory_space<hbm>>) target_semaphore(%run_scoped3A : memref<!tpu.dma_semaphore, #tpu.memory_space<semaphore_mem>>)
        %dma_wait3A = arith.constant 0 : i32
        %dma_wait3A_29 = tpu.memref_slice %arg7[%arg0, %mul3A_2, %dma_wait3A] : memref<2x10000x128xf32, #tpu.memory_space<hbm>> -> memref<1x624x128xf32, #tpu.memory_space<hbm>>
        %dma_wait3A_30 = tpu.memref_squeeze %dma_wait3A_29 : memref<1x624x128xf32, #tpu.memory_space<hbm>> -> memref<624x128xf32, #tpu.memory_space<hbm>>
        %dma_wait3A_31 = arith.constant 0 : i32
        %dma_wait3A_32 = tpu.memref_slice %arg11[%mul3A_2, %dma_wait3A_31] : memref<10000x128xf32, #tpu.memory_space<vmem_shared>> -> memref<624x128xf32, #tpu.memory_space<vmem_shared>>
        tpu.wait_dma2 semaphore(%run_scoped3A : memref<!tpu.dma_semaphore, #tpu.memory_space<semaphore_mem>>) src(%dma_wait3A_32 : memref<624x128xf32, #tpu.memory_space<vmem_shared>>) dst(%dma_wait3A_30 : memref<624x128xf32, #tpu.memory_space<hbm>>)
        tpu.yield
      }) : () -> ()
    } else {
    }
    %eq3A_20 = arith.constant 15 : i32
    %eq3A_21 = arith.cmpi eq, %arg1, %eq3A_20 : i32
    %convert_element_type3A_22 = arith.extui %eq3A_21 : i1 to i32
    %cond3A_23 = arith.constant 0 : i32
    %cond3A_24 = arith.cmpi ne, %convert_element_type3A_22, %cond3A_23 : i32
    scf.if %cond3A_24 {
      "tpu.region"() ({
        %run_scoped3A = tpu.sem_alloc : memref<!tpu.dma_semaphore, #tpu.memory_space<semaphore_mem>>
        %dma_start3A = arith.constant 9360 : i32
        %dma_start3A_25 = arith.constant 0 : i32
        %dma_start3A_26 = tpu.memref_slice %arg7[%arg0, %dma_start3A, %dma_start3A_25] : memref<2x10000x128xf32, #tpu.memory_space<hbm>> -> memref<1x640x128xf32, #tpu.memory_space<hbm>>
        %dma_start3A_27 = tpu.memref_squeeze %dma_start3A_26 : memref<1x640x128xf32, #tpu.memory_space<hbm>> -> memref<640x128xf32, #tpu.memory_space<hbm>>
        %dma_start3A_28 = arith.constant 9360 : i32
        %dma_start3A_29 = arith.constant 0 : i32
        %dma_start3A_30 = tpu.memref_slice %arg11[%dma_start3A_28, %dma_start3A_29] : memref<10000x128xf32, #tpu.memory_space<vmem_shared>> -> memref<640x128xf32, #tpu.memory_space<vmem_shared>>
        tpu.enqueue_dma source(%dma_start3A_30 : memref<640x128xf32, #tpu.memory_space<vmem_shared>>) target(%dma_start3A_27 : memref<640x128xf32, #tpu.memory_space<hbm>>) target_semaphore(%run_scoped3A : memref<!tpu.dma_semaphore, #tpu.memory_space<semaphore_mem>>)
        %dma_wait3A = arith.constant 9360 : i32
        %dma_wait3A_31 = arith.constant 0 : i32
        %dma_wait3A_32 = tpu.memref_slice %arg7[%arg0, %dma_wait3A, %dma_wait3A_31] : memref<2x10000x128xf32, #tpu.memory_space<hbm>> -> memref<1x640x128xf32, #tpu.memory_space<hbm>>
        %dma_wait3A_33 = tpu.memref_squeeze %dma_wait3A_32 : memref<1x640x128xf32, #tpu.memory_space<hbm>> -> memref<640x128xf32, #tpu.memory_space<hbm>>
        %dma_wait3A_34 = arith.constant 9360 : i32
        %dma_wait3A_35 = arith.constant 0 : i32
        %dma_wait3A_36 = tpu.memref_slice %arg11[%dma_wait3A_34, %dma_wait3A_35] : memref<10000x128xf32, #tpu.memory_space<vmem_shared>> -> memref<640x128xf32, #tpu.memory_space<vmem_shared>>
        tpu.wait_dma2 semaphore(%run_scoped3A : memref<!tpu.dma_semaphore, #tpu.memory_space<semaphore_mem>>) src(%dma_wait3A_36 : memref<640x128xf32, #tpu.memory_space<vmem_shared>>) dst(%dma_wait3A_33 : memref<640x128xf32, #tpu.memory_space<hbm>>)
        tpu.yield
      }) : () -> ()
    } else {
    }
    return
  }
}

module attributes {stable_mosaic.version = 14 : i64} {
  func.func @_tc_b_body(%arg0: i32, %arg1: memref<1000x128xf32, #tpu.memory_space<vmem>>, %arg2: memref<1000x128xf32, #tpu.memory_space<vmem>>, %arg3: memref<1000x1xf32, #tpu.memory_space<vmem>>, %arg4: memref<1000x1xf32, #tpu.memory_space<vmem>>, %arg5: memref<1000x128xf32, #tpu.memory_space<vmem>>, %arg6: memref<128x128xf32, #tpu.memory_space<vmem>>, %arg7: memref<128x128xf32, #tpu.memory_space<vmem>>, %arg8: memref<1x128xf32, #tpu.memory_space<vmem>>, %arg9: memref<1x128xf32, #tpu.memory_space<vmem>>, %arg10: memref<1x128xf32, #tpu.memory_space<vmem>>, %arg11: memref<128x64xf32, #tpu.memory_space<vmem>>, %arg12: memref<1000x128xf32, #tpu.memory_space<vmem>>, %arg13: memref<1000x64xf32, #tpu.memory_space<vmem>>) attributes {dimension_semantics = [#tpu.dimension_semantics<arbitrary>], iteration_bounds = array<i64: 10>, scalar_prefetch = 0 : i64, scratch_operands = 0 : i64, tpu.core_type = #tpu.core_type<tc>, window_params = [{transform_indices = @transform_0, window_bounds = array<i64: 1000, 128>}, {transform_indices = @transform_1, window_bounds = array<i64: 1000, 128>}, {transform_indices = @transform_2, window_bounds = array<i64: 1000, 1>}, {transform_indices = @transform_3, window_bounds = array<i64: 1000, 1>}, {transform_indices = @transform_4, window_bounds = array<i64: 1000, 128>}, {pipeline_mode = #tpu.pipeline_mode<synchronous>, transform_indices = @transform_5, window_bounds = array<i64: 128, 128>}, {pipeline_mode = #tpu.pipeline_mode<synchronous>, transform_indices = @transform_6, window_bounds = array<i64: 128, 128>}, {pipeline_mode = #tpu.pipeline_mode<synchronous>, transform_indices = @transform_7, window_bounds = array<i64: 1, 128>}, {pipeline_mode = #tpu.pipeline_mode<synchronous>, transform_indices = @transform_8, window_bounds = array<i64: 1, 128>}, {pipeline_mode = #tpu.pipeline_mode<synchronous>, transform_indices = @transform_9, window_bounds = array<i64: 1, 128>}, {pipeline_mode = #tpu.pipeline_mode<synchronous>, transform_indices = @transform_10, window_bounds = array<i64: 128, 64>}, {transform_indices = @transform_11, window_bounds = array<i64: 1000, 128>}, {transform_indices = @transform_12, window_bounds = array<i64: 1000, 64>}]} {
    %get3A = arith.constant 0 : index
    %get3A_0 = arith.constant 0 : index
    %get3A_1 = vector.load %arg3[%get3A, %get3A_0] : memref<1000x1xf32, #tpu.memory_space<vmem>>, vector<1000x1xf32>
    %get3A_2 = arith.constant 0 : index
    %get3A_3 = arith.constant 0 : index
    %get3A_4 = vector.load %arg4[%get3A_2, %get3A_3] : memref<1000x1xf32, #tpu.memory_space<vmem>>, vector<1000x1xf32>
    %add3A = arith.addf %get3A_1, %get3A_4 : vector<1000x1xf32>
    %max3A = arith.constant 1.000000e+00 : f32
    %max3A_5 = vector.broadcast %max3A : f32 to vector<1000x1xf32>
    %max3A_6 = arith.maximumf %add3A, %max3A_5 : vector<1000x1xf32>
    %get3A_7 = arith.constant 0 : index
    %get3A_8 = arith.constant 0 : index
    %get3A_9 = vector.load %arg1[%get3A_7, %get3A_8] : memref<1000x128xf32, #tpu.memory_space<vmem>>, vector<1000x128xf32>
    %get3A_10 = arith.constant 0 : index
    %get3A_11 = arith.constant 0 : index
    %get3A_12 = vector.load %arg2[%get3A_10, %get3A_11] : memref<1000x128xf32, #tpu.memory_space<vmem>>, vector<1000x128xf32>
    %add3A_13 = arith.addf %get3A_9, %get3A_12 : vector<1000x128xf32>
    %div3A = vector.broadcast %max3A_6 : vector<1000x1xf32> to vector<1000x128xf32>
    %div3A_14 = arith.divf %add3A_13, %div3A : vector<1000x128xf32>
    %get3A_15 = arith.constant 0 : index
    %get3A_16 = arith.constant 0 : index
    %get3A_17 = vector.load %arg6[%get3A_15, %get3A_16] : memref<128x128xf32, #tpu.memory_space<vmem>>, vector<128x128xf32>
    %dot_general3A = arith.constant dense<0.000000e+00> : vector<1000x128xf32>
    %dot_general3A_18 = tpu.matmul %div3A_14, %get3A_17, %dot_general3A {dimension_numbers = #tpu.dot_dimension_numbers<[1], [0], [0], [1], [0, 0, 1, 1], [], []>, transpose_lhs_hint = false} : vector<1000x128xf32>, vector<128x128xf32>, vector<1000x128xf32> -> vector<1000x128xf32>
    %get3A_19 = arith.constant 0 : index
    %get3A_20 = arith.constant 0 : index
    %get3A_21 = vector.load %arg8[%get3A_19, %get3A_20] : memref<1x128xf32, #tpu.memory_space<vmem>>, vector<1x128xf32>
    %add3A_22 = vector.broadcast %get3A_21 : vector<1x128xf32> to vector<1000x128xf32>
    %add3A_23 = arith.addf %dot_general3A_18, %add3A_22 : vector<1000x128xf32>
    %get3A_24 = arith.constant 0 : index
    %get3A_25 = arith.constant 0 : index
    %get3A_26 = vector.load %arg5[%get3A_24, %get3A_25] : memref<1000x128xf32, #tpu.memory_space<vmem>>, vector<1000x128xf32>
    %get3A_27 = arith.constant 0 : index
    %get3A_28 = arith.constant 0 : index
    %get3A_29 = vector.load %arg7[%get3A_27, %get3A_28] : memref<128x128xf32, #tpu.memory_space<vmem>>, vector<128x128xf32>
    %dot_general3A_30 = arith.constant dense<0.000000e+00> : vector<1000x128xf32>
    %dot_general3A_31 = tpu.matmul %get3A_26, %get3A_29, %dot_general3A_30 {dimension_numbers = #tpu.dot_dimension_numbers<[1], [0], [0], [1], [0, 0, 1, 1], [], []>, transpose_lhs_hint = false} : vector<1000x128xf32>, vector<128x128xf32>, vector<1000x128xf32> -> vector<1000x128xf32>
    %add3A_32 = arith.addf %add3A_23, %dot_general3A_31 : vector<1000x128xf32>
    %get3A_33 = arith.constant 0 : index
    %get3A_34 = arith.constant 0 : index
    %get3A_35 = vector.load %arg9[%get3A_33, %get3A_34] : memref<1x128xf32, #tpu.memory_space<vmem>>, vector<1x128xf32>
    %mul3A = arith.constant 0.999994993 : f32
    %mul3A_36 = vector.broadcast %mul3A : f32 to vector<1x128xf32>
    %mul3A_37 = arith.mulf %get3A_35, %mul3A_36 : vector<1x128xf32>
    %mul3A_38 = vector.broadcast %mul3A_37 : vector<1x128xf32> to vector<1000x128xf32>
    %mul3A_39 = arith.mulf %add3A_32, %mul3A_38 : vector<1000x128xf32>
    %get3A_40 = arith.constant 0 : index
    %get3A_41 = arith.constant 0 : index
    %get3A_42 = vector.load %arg10[%get3A_40, %get3A_41] : memref<1x128xf32, #tpu.memory_space<vmem>>, vector<1x128xf32>
    %add3A_43 = vector.broadcast %get3A_42 : vector<1x128xf32> to vector<1000x128xf32>
    %add3A_44 = arith.addf %mul3A_39, %add3A_43 : vector<1000x128xf32>
    %max3A_45 = arith.constant 0.000000e+00 : f32
    %max3A_46 = vector.broadcast %max3A_45 : f32 to vector<1000x128xf32>
    %max3A_47 = arith.maximumf %add3A_44, %max3A_46 : vector<1000x128xf32>
    %swap3A = arith.constant 0 : index
    %swap3A_48 = arith.constant 0 : index
    %swap3A_49 = vector.load %arg12[%swap3A, %swap3A_48] : memref<1000x128xf32, #tpu.memory_space<vmem>>, vector<1000x128xf32>
    tpu.vector_store %arg12[%swap3A, %swap3A_48], %max3A_47 {strides = array<i32>} : memref<1000x128xf32, #tpu.memory_space<vmem>>, vector<1000x128xf32>,
    %get3A_50 = arith.constant 0 : index
    %get3A_51 = arith.constant 0 : index
    %get3A_52 = vector.load %arg11[%get3A_50, %get3A_51] : memref<128x64xf32, #tpu.memory_space<vmem>>, vector<128x64xf32>
    %dot_general3A_53 = arith.constant dense<0.000000e+00> : vector<1000x64xf32>
    %dot_general3A_54 = tpu.matmul %max3A_47, %get3A_52, %dot_general3A_53 {dimension_numbers = #tpu.dot_dimension_numbers<[1], [0], [0], [1], [0, 0, 1, 1], [], []>, transpose_lhs_hint = false} : vector<1000x128xf32>, vector<128x64xf32>, vector<1000x64xf32> -> vector<1000x64xf32>
    %swap3A_55 = arith.constant 0 : index
    %swap3A_56 = arith.constant 0 : index
    %swap3A_57 = vector.load %arg13[%swap3A_55, %swap3A_56] : memref<1000x64xf32, #tpu.memory_space<vmem>>, vector<1000x64xf32>
    tpu.vector_store %arg13[%swap3A_55, %swap3A_56], %dot_general3A_54 {strides = array<i32>} : memref<1000x64xf32, #tpu.memory_space<vmem>>, vector<1000x64xf32>,
    return
  }
  func.func @transform_0(%arg0: i32) -> (i32, i32) {
    %c0_i32 = arith.constant 0 : i32
    %c0_i32_0 = arith.constant 0 : i32
    return %arg0, %c0_i32 : i32, i32
  }
  func.func @transform_1(%arg0: i32) -> (i32, i32) {
    %c0_i32 = arith.constant 0 : i32
    %c0_i32_0 = arith.constant 0 : i32
    return %arg0, %c0_i32 : i32, i32
  }
  func.func @transform_2(%arg0: i32) -> (i32, i32) {
    %c0_i32 = arith.constant 0 : i32
    %c0_i32_0 = arith.constant 0 : i32
    return %arg0, %c0_i32 : i32, i32
  }
  func.func @transform_3(%arg0: i32) -> (i32, i32) {
    %c0_i32 = arith.constant 0 : i32
    %c0_i32_0 = arith.constant 0 : i32
    return %arg0, %c0_i32 : i32, i32
  }
  func.func @transform_4(%arg0: i32) -> (i32, i32) {
    %c0_i32 = arith.constant 0 : i32
    %c0_i32_0 = arith.constant 0 : i32
    return %arg0, %c0_i32 : i32, i32
  }
  func.func @transform_5(%arg0: i32) -> (i32, i32) {
    %c0_i32 = arith.constant 0 : i32
    %c0_i32_0 = arith.constant 0 : i32
    %c0_i32_1 = arith.constant 0 : i32
    return %c0_i32, %c0_i32_0 : i32, i32
  }
  func.func @transform_6(%arg0: i32) -> (i32, i32) {
    %c0_i32 = arith.constant 0 : i32
    %c0_i32_0 = arith.constant 0 : i32
    %c0_i32_1 = arith.constant 0 : i32
    return %c0_i32, %c0_i32_0 : i32, i32
  }
  func.func @transform_7(%arg0: i32) -> (i32, i32) {
    %c0_i32 = arith.constant 0 : i32
    %c0_i32_0 = arith.constant 0 : i32
    %c0_i32_1 = arith.constant 0 : i32
    return %c0_i32, %c0_i32_0 : i32, i32
  }
  func.func @transform_8(%arg0: i32) -> (i32, i32) {
    %c0_i32 = arith.constant 0 : i32
    %c0_i32_0 = arith.constant 0 : i32
    %c0_i32_1 = arith.constant 0 : i32
    return %c0_i32, %c0_i32_0 : i32, i32
  }
  func.func @transform_9(%arg0: i32) -> (i32, i32) {
    %c0_i32 = arith.constant 0 : i32
    %c0_i32_0 = arith.constant 0 : i32
    %c0_i32_1 = arith.constant 0 : i32
    return %c0_i32, %c0_i32_0 : i32, i32
  }
  func.func @transform_10(%arg0: i32) -> (i32, i32) {
    %c0_i32 = arith.constant 0 : i32
    %c0_i32_0 = arith.constant 0 : i32
    %c0_i32_1 = arith.constant 0 : i32
    return %c0_i32, %c0_i32_0 : i32, i32
  }
  func.func @transform_11(%arg0: i32) -> (i32, i32) {
    %c0_i32 = arith.constant 0 : i32
    %c0_i32_0 = arith.constant 0 : i32
    return %arg0, %c0_i32 : i32, i32
  }
  func.func @transform_12(%arg0: i32) -> (i32, i32) {
    %c0_i32 = arith.constant 0 : i32
    %c0_i32_0 = arith.constant 0 : i32
    return %arg0, %c0_i32 : i32, i32
  }
}

module attributes {stable_mosaic.version = 14 : i64} {
  func.func @_tc_c_body(%arg0: i32, %arg1: memref<1000x128xf32, #tpu.memory_space<vmem>>, %arg2: memref<1000x128xf32, #tpu.memory_space<vmem>>, %arg3: memref<1000x1xf32, #tpu.memory_space<vmem>>, %arg4: memref<1000x1xf32, #tpu.memory_space<vmem>>, %arg5: memref<1000x64xf32, #tpu.memory_space<vmem>>, %arg6: memref<128x64xf32, #tpu.memory_space<vmem>>, %arg7: memref<1x64xf32, #tpu.memory_space<vmem>>, %arg8: memref<128x128xf32, #tpu.memory_space<vmem>>, %arg9: memref<1x128xf32, #tpu.memory_space<vmem>>, %arg10: memref<1000x128xf32, #tpu.memory_space<vmem>>, %arg11: memref<1000x128xf32, #tpu.memory_space<vmem>>) attributes {dimension_semantics = [#tpu.dimension_semantics<arbitrary>], iteration_bounds = array<i64: 10>, scalar_prefetch = 0 : i64, scratch_operands = 0 : i64, tpu.core_type = #tpu.core_type<tc>, window_params = [{transform_indices = @transform_0, window_bounds = array<i64: 1000, 128>}, {transform_indices = @transform_1, window_bounds = array<i64: 1000, 128>}, {transform_indices = @transform_2, window_bounds = array<i64: 1000, 1>}, {transform_indices = @transform_3, window_bounds = array<i64: 1000, 1>}, {transform_indices = @transform_4, window_bounds = array<i64: 1000, 64>}, {pipeline_mode = #tpu.pipeline_mode<synchronous>, transform_indices = @transform_5, window_bounds = array<i64: 128, 64>}, {pipeline_mode = #tpu.pipeline_mode<synchronous>, transform_indices = @transform_6, window_bounds = array<i64: 1, 64>}, {pipeline_mode = #tpu.pipeline_mode<synchronous>, transform_indices = @transform_7, window_bounds = array<i64: 128, 128>}, {pipeline_mode = #tpu.pipeline_mode<synchronous>, transform_indices = @transform_8, window_bounds = array<i64: 1, 128>}, {transform_indices = @transform_9, window_bounds = array<i64: 1000, 128>}, {transform_indices = @transform_10, window_bounds = array<i64: 1000, 128>}]} {
    %get3A = arith.constant 0 : index
    %get3A_0 = arith.constant 0 : index
    %get3A_1 = vector.load %arg3[%get3A, %get3A_0] : memref<1000x1xf32, #tpu.memory_space<vmem>>, vector<1000x1xf32>
    %get3A_2 = arith.constant 0 : index
    %get3A_3 = arith.constant 0 : index
    %get3A_4 = vector.load %arg4[%get3A_2, %get3A_3] : memref<1000x1xf32, #tpu.memory_space<vmem>>, vector<1000x1xf32>
    %add3A = arith.addf %get3A_1, %get3A_4 : vector<1000x1xf32>
    %max3A = arith.constant 1.000000e+00 : f32
    %max3A_5 = vector.broadcast %max3A : f32 to vector<1000x1xf32>
    %max3A_6 = arith.maximumf %add3A, %max3A_5 : vector<1000x1xf32>
    %get3A_7 = arith.constant 0 : index
    %get3A_8 = arith.constant 0 : index
    %get3A_9 = vector.load %arg1[%get3A_7, %get3A_8] : memref<1000x128xf32, #tpu.memory_space<vmem>>, vector<1000x128xf32>
    %get3A_10 = arith.constant 0 : index
    %get3A_11 = arith.constant 0 : index
    %get3A_12 = vector.load %arg2[%get3A_10, %get3A_11] : memref<1000x128xf32, #tpu.memory_space<vmem>>, vector<1000x128xf32>
    %add3A_13 = arith.addf %get3A_9, %get3A_12 : vector<1000x128xf32>
    %div3A = vector.broadcast %max3A_6 : vector<1000x1xf32> to vector<1000x128xf32>
    %div3A_14 = arith.divf %add3A_13, %div3A : vector<1000x128xf32>
    %get3A_15 = arith.constant 0 : index
    %get3A_16 = arith.constant 0 : index
    %get3A_17 = vector.load %arg6[%get3A_15, %get3A_16] : memref<128x64xf32, #tpu.memory_space<vmem>>, vector<128x64xf32>
    %dot_general3A = arith.constant dense<0.000000e+00> : vector<1000x64xf32>
    %dot_general3A_18 = tpu.matmul %div3A_14, %get3A_17, %dot_general3A {dimension_numbers = #tpu.dot_dimension_numbers<[1], [0], [0], [1], [0, 0, 1, 1], [], []>, transpose_lhs_hint = false} : vector<1000x128xf32>, vector<128x64xf32>, vector<1000x64xf32> -> vector<1000x64xf32>
    %get3A_19 = arith.constant 0 : index
    %get3A_20 = arith.constant 0 : index
    %get3A_21 = vector.load %arg7[%get3A_19, %get3A_20] : memref<1x64xf32, #tpu.memory_space<vmem>>, vector<1x64xf32>
    %add3A_22 = vector.broadcast %get3A_21 : vector<1x64xf32> to vector<1000x64xf32>
    %add3A_23 = arith.addf %dot_general3A_18, %add3A_22 : vector<1000x64xf32>
    %get3A_24 = arith.constant 0 : index
    %get3A_25 = arith.constant 0 : index
    %get3A_26 = vector.load %arg5[%get3A_24, %get3A_25] : memref<1000x64xf32, #tpu.memory_space<vmem>>, vector<1000x64xf32>
    %add3A_27 = arith.addf %add3A_23, %get3A_26 : vector<1000x64xf32>
    %get3A_28 = arith.constant 0 : index
    %get3A_29 = arith.constant 0 : index
    %get3A_30 = vector.load %arg8[%get3A_28, %get3A_29] : memref<128x128xf32, #tpu.memory_space<vmem>>, vector<128x128xf32>
    %slice3A = vector.extract_strided_slice %get3A_30 {offsets = [0, 0], sizes = [64, 128], strides = [1, 1]} : vector<128x128xf32> to vector<64x128xf32>
    %dot_general3A_31 = arith.constant dense<0.000000e+00> : vector<1000x128xf32>
    %dot_general3A_32 = tpu.matmul %add3A_27, %slice3A, %dot_general3A_31 {dimension_numbers = #tpu.dot_dimension_numbers<[1], [0], [0], [1], [0, 0, 1, 1], [], []>, transpose_lhs_hint = false} : vector<1000x64xf32>, vector<64x128xf32>, vector<1000x128xf32> -> vector<1000x128xf32>
    %get3A_33 = arith.constant 0 : index
    %get3A_34 = arith.constant 0 : index
    %get3A_35 = vector.load %arg9[%get3A_33, %get3A_34] : memref<1x128xf32, #tpu.memory_space<vmem>>, vector<1x128xf32>
    %add3A_36 = vector.broadcast %get3A_35 : vector<1x128xf32> to vector<1000x128xf32>
    %add3A_37 = arith.addf %dot_general3A_32, %add3A_36 : vector<1000x128xf32>
    %swap3A = arith.constant 0 : index
    %swap3A_38 = arith.constant 0 : index
    %swap3A_39 = vector.load %arg10[%swap3A, %swap3A_38] : memref<1000x128xf32, #tpu.memory_space<vmem>>, vector<1000x128xf32>
    tpu.vector_store %arg10[%swap3A, %swap3A_38], %add3A_37 {strides = array<i32>} : memref<1000x128xf32, #tpu.memory_space<vmem>>, vector<1000x128xf32>,
    %slice3A_40 = vector.extract_strided_slice %get3A_30 {offsets = [64, 0], sizes = [64, 128], strides = [1, 1]} : vector<128x128xf32> to vector<64x128xf32>
    %dot_general3A_41 = arith.constant dense<0.000000e+00> : vector<1000x128xf32>
    %dot_general3A_42 = tpu.matmul %add3A_27, %slice3A_40, %dot_general3A_41 {dimension_numbers = #tpu.dot_dimension_numbers<[1], [0], [0], [1], [0, 0, 1, 1], [], []>, transpose_lhs_hint = false} : vector<1000x64xf32>, vector<64x128xf32>, vector<1000x128xf32> -> vector<1000x128xf32>
    %swap3A_43 = arith.constant 0 : index
    %swap3A_44 = arith.constant 0 : index
    %swap3A_45 = vector.load %arg11[%swap3A_43, %swap3A_44] : memref<1000x128xf32, #tpu.memory_space<vmem>>, vector<1000x128xf32>
    tpu.vector_store %arg11[%swap3A_43, %swap3A_44], %dot_general3A_42 {strides = array<i32>} : memref<1000x128xf32, #tpu.memory_space<vmem>>, vector<1000x128xf32>,
    return
  }
  func.func @transform_0(%arg0: i32) -> (i32, i32) {
    %c0_i32 = arith.constant 0 : i32
    %c0_i32_0 = arith.constant 0 : i32
    return %arg0, %c0_i32 : i32, i32
  }
  func.func @transform_1(%arg0: i32) -> (i32, i32) {
    %c0_i32 = arith.constant 0 : i32
    %c0_i32_0 = arith.constant 0 : i32
    return %arg0, %c0_i32 : i32, i32
  }
  func.func @transform_2(%arg0: i32) -> (i32, i32) {
    %c0_i32 = arith.constant 0 : i32
    %c0_i32_0 = arith.constant 0 : i32
    return %arg0, %c0_i32 : i32, i32
  }
  func.func @transform_3(%arg0: i32) -> (i32, i32) {
    %c0_i32 = arith.constant 0 : i32
    %c0_i32_0 = arith.constant 0 : i32
    return %arg0, %c0_i32 : i32, i32
  }
  func.func @transform_4(%arg0: i32) -> (i32, i32) {
    %c0_i32 = arith.constant 0 : i32
    %c0_i32_0 = arith.constant 0 : i32
    return %arg0, %c0_i32 : i32, i32
  }
  func.func @transform_5(%arg0: i32) -> (i32, i32) {
    %c0_i32 = arith.constant 0 : i32
    %c0_i32_0 = arith.constant 0 : i32
    %c0_i32_1 = arith.constant 0 : i32
    return %c0_i32, %c0_i32_0 : i32, i32
  }
  func.func @transform_6(%arg0: i32) -> (i32, i32) {
    %c0_i32 = arith.constant 0 : i32
    %c0_i32_0 = arith.constant 0 : i32
    %c0_i32_1 = arith.constant 0 : i32
    return %c0_i32, %c0_i32_0 : i32, i32
  }
  func.func @transform_7(%arg0: i32) -> (i32, i32) {
    %c0_i32 = arith.constant 0 : i32
    %c0_i32_0 = arith.constant 0 : i32
    %c0_i32_1 = arith.constant 0 : i32
    return %c0_i32, %c0_i32_0 : i32, i32
  }
  func.func @transform_8(%arg0: i32) -> (i32, i32) {
    %c0_i32 = arith.constant 0 : i32
    %c0_i32_0 = arith.constant 0 : i32
    %c0_i32_1 = arith.constant 0 : i32
    return %c0_i32, %c0_i32_0 : i32, i32
  }
  func.func @transform_9(%arg0: i32) -> (i32, i32) {
    %c0_i32 = arith.constant 0 : i32
    %c0_i32_0 = arith.constant 0 : i32
    return %arg0, %c0_i32 : i32, i32
  }
  func.func @transform_10(%arg0: i32) -> (i32, i32) {
    %c0_i32 = arith.constant 0 : i32
    %c0_i32_0 = arith.constant 0 : i32
    return %arg0, %c0_i32 : i32, i32
  }
}

module attributes {stable_mosaic.version = 14 : i64} {
  func.func @_tc_d_body(%arg0: i32, %arg1: memref<512x128xf32, #tpu.memory_space<vmem>>, %arg2: memref<512x128xf32, #tpu.memory_space<vmem>>, %arg3: memref<1x128xf32, #tpu.memory_space<vmem>>, %arg4: memref<1x128xf32, #tpu.memory_space<vmem>>, %arg5: memref<128x64xf32, #tpu.memory_space<vmem>>, %arg6: memref<1x64xf32, #tpu.memory_space<vmem>>, %arg7: memref<1x64xf32, #tpu.memory_space<vmem>>, %arg8: memref<1x64xf32, #tpu.memory_space<vmem>>, %arg9: memref<1x64xf32, #tpu.memory_space<vmem>>, %arg10: memref<1xf32, #tpu.memory_space<smem>>, %arg11: memref<512xf32, #tpu.memory_space<vmem>>) attributes {dimension_semantics = [#tpu.dimension_semantics<arbitrary>], iteration_bounds = array<i64: 625>, scalar_prefetch = 0 : i64, scratch_operands = 0 : i64, tpu.core_type = #tpu.core_type<tc>, window_params = [{transform_indices = @transform_0, window_bounds = array<i64: 512, 128>}, {transform_indices = @transform_1, window_bounds = array<i64: 512, 128>}, {pipeline_mode = #tpu.pipeline_mode<synchronous>, transform_indices = @transform_2, window_bounds = array<i64: 1, 128>}, {pipeline_mode = #tpu.pipeline_mode<synchronous>, transform_indices = @transform_3, window_bounds = array<i64: 1, 128>}, {pipeline_mode = #tpu.pipeline_mode<synchronous>, transform_indices = @transform_4, window_bounds = array<i64: 128, 64>}, {pipeline_mode = #tpu.pipeline_mode<synchronous>, transform_indices = @transform_5, window_bounds = array<i64: 1, 64>}, {pipeline_mode = #tpu.pipeline_mode<synchronous>, transform_indices = @transform_6, window_bounds = array<i64: 1, 64>}, {pipeline_mode = #tpu.pipeline_mode<synchronous>, transform_indices = @transform_7, window_bounds = array<i64: 1, 64>}, {pipeline_mode = #tpu.pipeline_mode<synchronous>, transform_indices = @transform_8, window_bounds = array<i64: 1, 64>}, {transform_indices = @transform_9, window_bounds = array<i64: 1>}, {transform_indices = @transform_10, window_bounds = array<i64: 512>}]} {
    %get3A = arith.constant 0 : index
    %get3A_0 = arith.constant 0 : index
    %get3A_1 = vector.load %arg1[%get3A, %get3A_0] : memref<512x128xf32, #tpu.memory_space<vmem>>, vector<512x128xf32>
    %get3A_2 = arith.constant 0 : index
    %get3A_3 = arith.constant 0 : index
    %get3A_4 = vector.load %arg2[%get3A_2, %get3A_3] : memref<512x128xf32, #tpu.memory_space<vmem>>, vector<512x128xf32>
    %add3A = arith.addf %get3A_1, %get3A_4 : vector<512x128xf32>
    %get3A_5 = arith.constant 0 : index
    %get3A_6 = arith.constant 0 : index
    %get3A_7 = vector.load %arg3[%get3A_5, %get3A_6] : memref<1x128xf32, #tpu.memory_space<vmem>>, vector<1x128xf32>
    %mul3A = arith.constant 0.999994993 : f32
    %mul3A_8 = vector.broadcast %mul3A : f32 to vector<1x128xf32>
    %mul3A_9 = arith.mulf %get3A_7, %mul3A_8 : vector<1x128xf32>
    %mul3A_10 = vector.broadcast %mul3A_9 : vector<1x128xf32> to vector<512x128xf32>
    %mul3A_11 = arith.mulf %add3A, %mul3A_10 : vector<512x128xf32>
    %get3A_12 = arith.constant 0 : index
    %get3A_13 = arith.constant 0 : index
    %get3A_14 = vector.load %arg4[%get3A_12, %get3A_13] : memref<1x128xf32, #tpu.memory_space<vmem>>, vector<1x128xf32>
    %add3A_15 = vector.broadcast %get3A_14 : vector<1x128xf32> to vector<512x128xf32>
    %add3A_16 = arith.addf %mul3A_11, %add3A_15 : vector<512x128xf32>
    %max3A = arith.constant 0.000000e+00 : f32
    %max3A_17 = vector.broadcast %max3A : f32 to vector<512x128xf32>
    %max3A_18 = arith.maximumf %add3A_16, %max3A_17 : vector<512x128xf32>
    %get3A_19 = arith.constant 0 : index
    %get3A_20 = arith.constant 0 : index
    %get3A_21 = vector.load %arg5[%get3A_19, %get3A_20] : memref<128x64xf32, #tpu.memory_space<vmem>>, vector<128x64xf32>
    %dot_general3A = arith.constant dense<0.000000e+00> : vector<512x64xf32>
    %dot_general3A_22 = tpu.matmul %max3A_18, %get3A_21, %dot_general3A {dimension_numbers = #tpu.dot_dimension_numbers<[1], [0], [0], [1], [0, 0, 1, 1], [], []>, transpose_lhs_hint = false} : vector<512x128xf32>, vector<128x64xf32>, vector<512x64xf32> -> vector<512x64xf32>
    %get3A_23 = arith.constant 0 : index
    %get3A_24 = arith.constant 0 : index
    %get3A_25 = vector.load %arg6[%get3A_23, %get3A_24] : memref<1x64xf32, #tpu.memory_space<vmem>>, vector<1x64xf32>
    %add3A_26 = vector.broadcast %get3A_25 : vector<1x64xf32> to vector<512x64xf32>
    %add3A_27 = arith.addf %dot_general3A_22, %add3A_26 : vector<512x64xf32>
    %get3A_28 = arith.constant 0 : index
    %get3A_29 = arith.constant 0 : index
    %get3A_30 = vector.load %arg7[%get3A_28, %get3A_29] : memref<1x64xf32, #tpu.memory_space<vmem>>, vector<1x64xf32>
    %mul3A_31 = arith.constant 0.999994993 : f32
    %mul3A_32 = vector.broadcast %mul3A_31 : f32 to vector<1x64xf32>
    %mul3A_33 = arith.mulf %get3A_30, %mul3A_32 : vector<1x64xf32>
    %mul3A_34 = vector.broadcast %mul3A_33 : vector<1x64xf32> to vector<512x64xf32>
    %mul3A_35 = arith.mulf %add3A_27, %mul3A_34 : vector<512x64xf32>
    %get3A_36 = arith.constant 0 : index
    %get3A_37 = arith.constant 0 : index
    %get3A_38 = vector.load %arg8[%get3A_36, %get3A_37] : memref<1x64xf32, #tpu.memory_space<vmem>>, vector<1x64xf32>
    %add3A_39 = vector.broadcast %get3A_38 : vector<1x64xf32> to vector<512x64xf32>
    %add3A_40 = arith.addf %mul3A_35, %add3A_39 : vector<512x64xf32>
    %max3A_41 = arith.constant 0.000000e+00 : f32
    %max3A_42 = vector.broadcast %max3A_41 : f32 to vector<512x64xf32>
    %max3A_43 = arith.maximumf %add3A_40, %max3A_42 : vector<512x64xf32>
    %get3A_44 = arith.constant 0 : index
    %get3A_45 = arith.constant 0 : index
    %get3A_46 = vector.load %arg9[%get3A_44, %get3A_45] : memref<1x64xf32, #tpu.memory_space<vmem>>, vector<1x64xf32>
    %mul3A_47 = vector.broadcast %get3A_46 : vector<1x64xf32> to vector<512x64xf32>
    %mul3A_48 = arith.mulf %max3A_43, %mul3A_47 : vector<512x64xf32>
    %reduce_sum3A = arith.constant dense<0.000000e+00> : vector<512xf32>
    %reduce_sum3A_49 = vector.multi_reduction <add>, %mul3A_48, %reduce_sum3A [1] : vector<512x64xf32> to vector<512xf32>
    %get3A_50 = arith.constant 0 : index
    %get3A_51 = memref.load %arg10[%get3A_50] : memref<1xf32, #tpu.memory_space<smem>>
    %add3A_52 = vector.broadcast %get3A_51 : f32 to vector<512xf32>
    %add3A_53 = arith.addf %reduce_sum3A_49, %add3A_52 : vector<512xf32>
    %swap3A = arith.constant 0 : index
    %swap3A_54 = vector.load %arg11[%swap3A] : memref<512xf32, #tpu.memory_space<vmem>>, vector<512xf32>
    tpu.vector_store %arg11[%swap3A], %add3A_53 {strides = array<i32>} : memref<512xf32, #tpu.memory_space<vmem>>, vector<512xf32>,
    return
  }
  func.func @transform_0(%arg0: i32) -> (i32, i32) {
    %c0_i32 = arith.constant 0 : i32
    %c0_i32_0 = arith.constant 0 : i32
    return %arg0, %c0_i32 : i32, i32
  }
  func.func @transform_1(%arg0: i32) -> (i32, i32) {
    %c0_i32 = arith.constant 0 : i32
    %c0_i32_0 = arith.constant 0 : i32
    return %arg0, %c0_i32 : i32, i32
  }
  func.func @transform_2(%arg0: i32) -> (i32, i32) {
    %c0_i32 = arith.constant 0 : i32
    %c0_i32_0 = arith.constant 0 : i32
    %c0_i32_1 = arith.constant 0 : i32
    return %c0_i32, %c0_i32_0 : i32, i32
  }
  func.func @transform_3(%arg0: i32) -> (i32, i32) {
    %c0_i32 = arith.constant 0 : i32
    %c0_i32_0 = arith.constant 0 : i32
    %c0_i32_1 = arith.constant 0 : i32
    return %c0_i32, %c0_i32_0 : i32, i32
  }
  func.func @transform_4(%arg0: i32) -> (i32, i32) {
    %c0_i32 = arith.constant 0 : i32
    %c0_i32_0 = arith.constant 0 : i32
    %c0_i32_1 = arith.constant 0 : i32
    return %c0_i32, %c0_i32_0 : i32, i32
  }
  func.func @transform_5(%arg0: i32) -> (i32, i32) {
    %c0_i32 = arith.constant 0 : i32
    %c0_i32_0 = arith.constant 0 : i32
    %c0_i32_1 = arith.constant 0 : i32
    return %c0_i32, %c0_i32_0 : i32, i32
  }
  func.func @transform_6(%arg0: i32) -> (i32, i32) {
    %c0_i32 = arith.constant 0 : i32
    %c0_i32_0 = arith.constant 0 : i32
    %c0_i32_1 = arith.constant 0 : i32
    return %c0_i32, %c0_i32_0 : i32, i32
  }
  func.func @transform_7(%arg0: i32) -> (i32, i32) {
    %c0_i32 = arith.constant 0 : i32
    %c0_i32_0 = arith.constant 0 : i32
    %c0_i32_1 = arith.constant 0 : i32
    return %c0_i32, %c0_i32_0 : i32, i32
  }
  func.func @transform_8(%arg0: i32) -> (i32, i32) {
    %c0_i32 = arith.constant 0 : i32
    %c0_i32_0 = arith.constant 0 : i32
    %c0_i32_1 = arith.constant 0 : i32
    return %c0_i32, %c0_i32_0 : i32, i32
  }
  func.func @transform_9(%arg0: i32) -> i32 {
    %c0_i32 = arith.constant 0 : i32
    %c0_i32_0 = arith.constant 0 : i32
    return %c0_i32 : i32
  }
  func.func @transform_10(%arg0: i32) -> i32 {
    %c0_i32 = arith.constant 0 : i32
    return %arg0 : i32
  }
}

</mosaic_0001>

<sc_bundles>
// kernel: kernel.11.cloned.1.call-start
scs
__scs_entry_jumppad:
0x0: {  	(pc) =	sbr.rel $0x88, $3  }
0x1: {  	(tag) =	ssettag $0x0;
	lr =	simm.s32 $0x1  }
0x2: {  	[smem:$0x3F8C] =	sst lr;
	_ =	strace $0xD0000000  }
0x3: {  	_ = 	snop  }
0x4: {  	_ = 	snop  }
0x5: {  	_ = 	snop  }
0x6: {  	_ = 	snop  }
0x7: {  	_ = 	snop  }
__scs_overlays_trampoline_lowered:
0x8: {  	[smem:$0x3F9B] =	sst s0  }
0x9: {  	[smem:$0x3F9C] =	sst s1  }
0xa: {  	[smem:$0x3F9D] =	sst s2  }
0xb: {  	[smem:$0x3F9E] =	sst s3  }
0xc: {  	[smem:$0x3F9F] =	sst s4  }
0xd: {  	[smem:$0x3FA0] =	sst s5  }
0xe: {  	[smem:$0x3FA1] =	sst s6  }
0xf: {  	[smem:$0x3FA2] =	sst s7  }
0x10: {  	[smem:$0x3FA3] =	sst s8  }
0x11: {  	[smem:$0x3FA4] =	sst s9;
	s0 =	simm.s32 @!p0 $0x0  }
0x12: {  	s1 =	sld [smem:$0x3F8A];
	s0 =	simm.s32 @p0 $0x1  }
0x13: {  	[smem:$0x3FA5] =	sst s0;
	s0 =	simm.s32 @!p1 $0x0  }
0x14: {  	s2 =	sld [smem:$0x3F89];
	s0 =	simm.s32 @p1 $0x1  }
0x15: {  	[smem:$0x3FA6] =	sst s0;
	s0 =	simm.s32 @!p2 $0x0  }
0x16: {  	s3 =	sld [smem:$0x3FDB];
	s0 =	simm.s32 @p2 $0x1  }
0x17: {  	s4 =	simm.s32 $0x1BF5;
	[smem:$0x3FA8] =	sst s0  }
0x18: {  	s0 =	sld [smem:$0x3F8B];
	_ =	swait.ge [sflag:s4], $0x0  }
0x19: {  	s7 =	sld [smem:$0x3F8C]  }
0x1a: {  	s8 =	sadd.s32 $0xFFFFE003, lr  }
0x1b: {  	s9 =	sadd.s32 $0xFFFFFEF7, lr;
	s5 =	simm.s32 $0xFFFFFFFF;
	p2 =	slt.u32 s8, $0xFFFFF086  }
0x1c: {  	p1 =	slt.u32 s9, $0xF7A;
	s5 =	simm.s32 @!p2 $0x0  }
0x1d: {  	s5 =	simm.s32 @p1 $0x1;
	p0 =	seq.s32 s7, s2  }
0x1e: {  	s7 =	smul.u32 @!p0 $0xF7A, s2;
	p2 =	seq.s32 @!p0 s5, $0x0  }
0x1f: {  	s9 =	smul.u32 $0xF7A, s1;
	s8 =	simm.s32 @!p0 $0x1BF5;
	p2 =	por !p2, p0  }
0x20: {  	[sflag:s8] =	ssyncset.s32 @!p0 $0xFFFFF086;
	s6 =	sadd.s32 @!p0 s3, s7;
	s7 =	simm.s32 @!p0 $0x108  }
0x21: {  	s3 =	sadd.s32 s3, s9;
	s6 =	sadd.s32 @!p0 $0x88, s6;
	s7 =	simm.s32 @p2 $0x1082  }
0x22: {  	[simem:s7], [sflag:s8] =	dma.local @!p0 [hbm:s6], $0xF7A  }
0x23: {  	s9 =	sor.u32 $0xD0000000, s2;
	s6 =	simm.s32 $0x108;
	_ =	swait.ge @!p0 [sflag:s8], $0x0  }
0x24: {  	s3 =	sadd.s32 $0x88, s3;
	s6 =	simm.s32 @!p1 $0x1082;
	[sflag:s4] =	ssyncset.s32 $0xFFFFF086  }
0x25: {  	[simem:s6], [sflag:s4] =	dma.local [hbm:s3], $0xF7A  }
0x26: {  	[smem:$0x3F8C] =	sst s1;
	(tag) =	ssettag s2;
	_ =	strace s9  }
0x27: {  	s1 =	sld [smem:$0x3F9C]  }
0x28: {  	s2 =	sld [smem:$0x3F9D]  }
0x29: {  	s4 =	sld [smem:$0x3F9F]  }
0x2a: {  	p0 =	seq.s32 s5, $0x0;
	s5 =	sld [smem:$0x3FA0]  }
0x2b: {  	s6 =	sld [smem:$0x3FA1]  }
0x2c: {  	s7 =	sld [smem:$0x3FA2]  }
0x2d: {  	s3 =	simm.s32 $0x108;
	s8 =	sld [smem:$0x3FA3]  }
0x2e: {  	s3 =	simm.s32 @!p0 $0x1082;
	s9 =	sld [smem:$0x3FA4]  }
0x2f: {  	lr =	sadd.s32 s0, s3;
	s0 =	sld [smem:$0x3F9B]  }
0x30: {  	s3 =	sld [smem:$0x3F9E]  }
0x31: {  	[smem:$0x3FA7] =	sst s10  }
0x32: {  	s10 =	sld [smem:$0x3FA5];
	_ =	sdelay $0x3  }
0x33: {  	p0 =	seq.s32 s10, $0x1;
	s10 =	sld [smem:$0x3FA7];
	_ =	sdelay $0x3  }
0x34: {  	[smem:$0x3FA7] =	sst s10  }
0x35: {  	s10 =	sld [smem:$0x3FA6];
	_ =	sdelay $0x3  }
0x36: {  	p1 =	seq.s32 s10, $0x1;
	s10 =	sld [smem:$0x3FA7];
	_ =	sdelay $0x3  }
0x37: {  	[smem:$0x3FA7] =	sst s10  }
0x38: {  	s10 =	sld [smem:$0x3FA8]  }
0x39: {  	_ = 	snop;
	(pc) =	sbr.ind lr, $3  }
0x3a: {  	_ = 	snop  }
0x3b: {  	_ = 	snop  }
0x3c: {  	p2 =	seq.s32 s10, $0x1;
	s10 =	sld [smem:$0x3FA7]  }
0x3d: {  	_ =	shalt  }
0x3e: {  	_ =	shalt  }
0x3f: {  	_ =	shalt  }
0x40: {  	_ =	shalt  }
0x41: {  	_ =	shalt  }
0x42: {  	_ =	shalt  }
0x43: {  	_ =	shalt  }
0x44: {  	_ =	shalt  }
0x45: {  	_ =	shalt  }
0x46: {  	_ =	shalt  }
0x47: {  	_ =	shalt  }
0x48: {  	_ =	shalt  }
0x49: {  	_ =	shalt  }
0x4a: {  	_ =	shalt  }
0x4b: {  	_ =	shalt  }
0x4c: {  	_ =	shalt  }
0x4d: {  	_ =	shalt  }
0x4e: {  	_ =	shalt  }
0x4f: {  	_ =	shalt  }
0x50: {  	_ =	shalt  }
0x51: {  	_ =	shalt  }
0x52: {  	_ =	shalt  }
0x53: {  	_ =	shalt  }
0x54: {  	_ =	shalt  }
0x55: {  	_ =	shalt  }
0x56: {  	_ =	shalt  }
0x57: {  	_ =	shalt  }
0x58: {  	_ =	shalt  }
0x59: {  	_ =	shalt  }
0x5a: {  	_ =	shalt  }
0x5b: {  	_ =	shalt  }
0x5c: {  	_ =	shalt  }
0x5d: {  	_ =	shalt  }
0x5e: {  	_ =	shalt  }
0x5f: {  	_ =	shalt  }
0x60: {  	_ =	shalt  }
0x61: {  	_ =	shalt  }
0x62: {  	_ =	shalt  }
0x63: {  	_ =	shalt  }
0x64: {  	_ =	shalt  }
0x65: {  	_ =	shalt  }
0x66: {  	_ =	shalt  }
0x67: {  	_ =	shalt  }
0x68: {  	_ =	shalt  }
0x69: {  	_ =	shalt  }
0x6a: {  	_ =	shalt  }
0x6b: {  	_ =	shalt  }
0x6c: {  	_ =	shalt  }
0x6d: {  	_ =	shalt  }
0x6e: {  	_ =	shalt  }
0x6f: {  	_ =	shalt  }
0x70: {  	_ =	shalt  }
0x71: {  	_ =	shalt  }
0x72: {  	_ =	shalt  }
0x73: {  	_ =	shalt  }
0x74: {  	_ =	shalt  }
0x75: {  	_ =	shalt  }
0x76: {  	_ =	shalt  }
0x77: {  	_ =	shalt  }
0x78: {  	_ =	shalt  }
0x79: {  	_ =	shalt  }
0x7a: {  	_ =	shalt  }
0x7b: {  	_ =	shalt  }
0x7c: {  	_ =	shalt  }
0x7d: {  	_ =	shalt  }
0x7e: {  	_ =	shalt  }
0x7f: {  	_ =	shalt  }
0x80: {  	_ =	shalt  }
0x81: {  	_ =	shalt  }
0x82: {  	_ =	shalt  }
0x83: {  	_ =	shalt  }
0x84: {  	_ =	shalt  }
0x85: {  	_ =	shalt  }
0x86: {  	_ =	shalt  }
0x87: {  	_ =	shalt  }
.Lfunc_end0:
.L_simem_size_0:
called_computation.1_lowered:
.L_overlay_start_0:
0x88: {  	s2 =	sld [smem:$0x3FD9]  }
0x89: {  	s3 =	sld [smem:$0x3FFE];
	_ =	sdelay $0x1  }
0x8a: {  	s1 =	srdreg.scid  }
0x8b: {  	s0 =	sand.u32 $0x1, s1  }
0x8c: {  	s16 =	sshll.u32 s0, $0xA;
	s2 =	sadd.s32 s3, s2  }
0x8d: {  	s2 =	sadd.s32 s2, s16  }
0x8e: {  	[smem:$0x3FB3] =	sst s2  }
0x8f: {  	_ = 	snop  }
0x90: {  	(tm) =	ssettm $0x1  }
0x91: {  	s17 =	sld [smem:$0x3FFB];
	_ =	sdelay $0x3  }
0x92: {  	_ =	strace s17  }
0x93: {  	s2 =	sld [smem:$0x3FFC];
	_ =	sdelay $0x3  }
0x94: {  	_ =	strace s2  }
0x95: {  	s2 =	sld [smem:$0x3FFD];
	_ =	sdelay $0x3  }
0x96: {  	_ =	strace s2  }
0x97: {  	_ =	strace $0x8FFFFFFF  }
0x98: {  	s18 =	sld [smem:$0x3FDB];
	_ =	sdelay $0x1  }
0x99: {  	s19 =	simm.s32 $_scs_section_size  }
0x9a: {  	s4 =	simm.s32 $_size__tile_overlayer_lowered;
	s5 =	simm.s32 $_tile_overlayer_lowered  }
0x9b: {  	s22 =	simm.s32 $0x1BFF;
	s21 =	sshll.u32 s5, $0x1;
	s2 =	sadd.s32 s19, s18  }
0x9c: {  	s6 =	simm.s32 $0x0;
	s20 =	sshll.u32 s4, $0x1;
	s4 =	sadd.s32 s21, s2  }
0x9d: {  	[timem:s6], [sflag:s22] =	dma.local [hbm:s4], s20  }
0x9e: {  	_ =	swait.ge [sflag:s22], s20  }
0x9f: {  	s3 =	ssub.s32 $0x0, s20;
	[sflag:s22] =	ssyncset.done $0x0  }
0xa0: {  	[sflag:s22] =	ssyncadd.s32 s3;
	_ =	sdelay $0x1  }
0xa1: {  	s23 =	simm.s32 $0x1B8B  }
0xa2: {  	_ =	swait.ge [sflag:s23], $0x1  }
0xa3: {  	[sflag:s23] =	ssyncset.done $0x0  }
0xa4: {  	s25 =	simm.s32 $0x1B8E;
	s24 =	sld [smem:$0x3FFE];
	[sflag:s23] =	ssyncadd.s32 $0xFFFFFFFF  }
0xa5: {  	s26 =	simm.s32 $execute0_lowered;
	[smem:$0x3FD2] =	sst s25  }
0xa6: {  	s4 =	sshll.u32 s26, $0x1;
	_ =	strace $0x80000049;
	[dreg:$0x1] =	wrdreg $0xFFFFFFFF  }
0xa7: {  	s28 =	simm.s32 $_size_execute0_lowered;
	s2 =	sadd.s32 s2, s4;
	[dreg:$0x0] =	wrdreg $0x0  }
0xa8: {  	s4 =	sshll.u32 s28, $0x1;
	[dreg:$0x2] =	wrdreg s2  }
0xa9: {  	[dreg:$0x3] =	wrdreg s4  }
0xaa: {  	[dreg:$0x4] =	wrdreg $0xC0  }
0xab: {  	_ =	task [dreg:s6], $0x5FFFF  }
0xac: {  	[dreg:$0x1] =	wrdreg $0xFFFFFFFF  }
0xad: {  	[dreg:$0x0] =	wrdreg $0x60  }
0xae: {  	[dreg:$0x2] =	wrdreg s24  }
0xaf: {  	[dreg:$0x3] =	wrdreg $0xA8000  }
0xb0: {  	[dreg:$0x4] =	wrdreg $0x9  }
0xb1: {  	_ =	task.clear_ibuf [dreg:s6], $0x5FFFF;
	_ =	strace $0x90000049  }
0xb2: {  	s29 =	simm.s32 $0x9;
	_ =	strace $0x8000004B  }
0xb3: {  	_ =	swait.ge [sflag:s29], $0x1  }
0xb4: {  	[sflag:s29] =	ssyncadd.s32 $0xFFFFFFFF  }
0xb5: {  	_ =	strace $0x9000004B  }
0xb6: {  	_ =	sfence  }
0xb7: {  	s30 =	sld [smem:$0x0];
	_ =	sdelay $0x2  }
0xb8: {  	s31 =	sshll.u32 s1, $0xD;
	s1 =	sshrl.u32 s1, $0x2  }
0xb9: {  	s3 =	sand.u32 $0x4000, s31;
	s1 =	sadd.s32 s1, s30  }
0xba: {  	s0 =	sor.u32 s3, s0;
	s1 =	sshll.u32 s1, $0x11  }
0xbb: {  	s0 =	sor.u32 s1, s0  }
0xbc: {  	s0 =	sadd.s32 $0x8F2B, s0  }
0xbd: {  	[sflag:s0] =	ssyncadd.remote.s32 $0x1  }
0xbe: {  	_ =	sfence.sel $0xFFFF  }
0xbf: {  	[dreg:$0x0] =	wrdreg $0xFFFFFFFF;
	(pc) =	sbr.abs _section_cstart, $3  }
0xc0: {  	[dreg:$0x1] =	wrdreg $0xFFFFFFFF  }
0xc1: {  	_ =	task.clear_ibuf [dreg:s6], $0x2FFFF;
	_ =	strace $0x9FFFFFFF  }
0xc2: {  	(tm) =	ssettm $0x7FFFFFFF  }
0xc3: {  	_ =	shalt  }
tec
execute0_lowered:
.L_overlay_start_1:
0x0: {  	(tag) =	ssettag $0x1  }
0x1: {  	s6 =	rddreg [dreg:$0x0]  }
0x2: {  	s2 =	rddreg [dreg:$0x1];
	s3 =	srdreg.scid  }
0x3: {  	s0 =	rddreg [dreg:$0x2];
	s1 =	stileid.u32;
	s16 =	simm.s32 $0x4000  }
0x4: {  	s17 =	simm.s32 $0x50;
	s18 =	simm.s32 $0x8000;
	s19 =	simm.s32 $0x1  }
0x5: {  	s20 =	simm.s32 $0x0;
	s5 =	sand.u32 $0x1, s3;
	s28 =	smul.u32 $0x2700, s1  }
0x6: {  	s3 =	simm.s32 $0x0;
	s10 =	smul.u32 $0x4E000, s1;
	s11 =	sadd.s32 $0x10EA00, s6  }
0x7: {  	s7 =	sshll.u32 s1, $0xB;
	s30 =	smul.u32 $0x13800, s1;
	s15 =	sadd.s32 $0x124800, s2  }
0x8: {  	p0 =	seq.s32 s1, $0xF;
	s4 =	sshll.u32 s5, $0xF;
	[smem:$0x7FF] =	sst s3  }
0x9: {  	s9 =	ssub.s32 $0x2, s5;
	s13 =	smul.u32 $0x138800, s5;
	s4 =	sor.u32 s7, s4  }
0xa: {  	_ =	strace $0x8000004A;
	s7 =	sadd.s32 s28, s6;
	s12 =	sshrl.u32 s9, $0x1  }
0xb: {  	s29 =	sshrl.u32 s10, $0x2;
	s8 =	sadd.s32 s4, s6;
	s4 =	sadd.s32 $0x4B200, s6  }
0xc: {  	s12 =	ssub.s32 s9, s12;
	s14 =	sadd.s32 s29, s2;
	s5 =	sadd.s32 $0x23A00, s7  }
0xd: {  	s6 =	sadd.s32 $0x48300, s6;
	s9 =	sadd.s32 s30, s13;
	s31 =	sshrl.u32 s13, $0x3  }
0xe: {  	s13 =	sshll.u32 @!p0 s1, $0x6;
	s7 =	sadd.s32 $0x3A00, s8;
	s8 =	sadd.s32 $0x13A00, s8  }
0xf: {  	s9 =	sshrl.u32 s9, $0x3;
	s10 =	sadd.s32 s11, s31;
	s13 =	sor.u32 @!p0 $0x1C02, s13  }
0x10: {  	s14 =	sshrl.u32 @!p0 s14, $0x3;
	s9 =	sadd.s32 s11, s9;
	s10 =	sadd.s32 $0x24900, s10  }
0x11: {  	s11 =	smax.u32 s12, $0x1;
	s12 =	sshrl.u32 @p0 s15, $0x3;
	s15 =	simm.s32 $0x2  }
.LBB2_1:
0x12: {  	s21 =	simm.s32 @p0 $0x1FC2  }
0x13: {  	[spmem:s12], [sflag:s21] =	dma.local @p0 [hbm:s6], $0x2800  }
0x14: {  	s21 =	simm.s32 @p0 $0x2  }
0x15: {  	_ =	swait.ge @p0 [sflag:s21], $0x2800  }
0x16: {  	[sflag:s21] =	ssyncset.done @p0 $0x0  }
0x17: {  	[sflag:s21] =	ssyncadd.s32 @p0 $0xFFFFD800;
	s21 =	simm.s32 @!p0 $0x2  }
0x18: {  	[spmem:s14], [sflag:s13] =	dma.local @!p0 [hbm:s5], $0x2700  }
0x19: {  	_ =	swait.ge @!p0 [sflag:s21], $0x2700  }
0x1a: {  	[sflag:s21] =	ssyncset.done @!p0 $0x0  }
0x1b: {  	[sflag:s21] =	ssyncadd.s32 @!p0 $0xFFFFD900  }
0x1c: {  	[tilespmem:s3], [sflag:$0x2] =	stream.linear.gather [hbm4b:s7+s3], $0x3E80, $0x38;
	[tilespmem:$0x1E080] =	vst v63  }
0x1d: {  	_ =	swait.ge [sflag:s15], $0x3E80  }
0x1e: {  	[sflag:s15] =	ssyncset.done $0x0  }
0x1f: {  	[sflag:s15] =	ssyncadd.s32 $0xFFFFC180  }
0x20: {  	[tilespmem:s16], [sflag:$0x2] =	stream.linear.gather [hbm4b:s8+s3], $0x3E80, $0x38;
	[tilespmem:$0x1E080] =	vst v63  }
0x21: {  	_ =	swait.ge [sflag:s15], $0x3E80  }
0x22: {  	[sflag:s15] =	ssyncset.done $0x0  }
0x23: {  	[sflag:s15] =	ssyncadd.s32 $0xFFFFC180  }
0x24: {  	s30 =	simm.s32 $0x0;
	[bflag:$0x0] =	sbarrier.arrive $0xFFFF  }
0x25: {  	[tilespmem:s18], [sflag:$0x1] =	stream.indirect.gather [hbm4b:s4+s17], $0x80, s30, s17, $0xb8;
	[tilespmem:$0x1E080] =	vst v63  }
0x26: {  	_ =	swait.ge [sflag:s19], $0x2800  }
0x27: {  	[sflag:s19] =	ssyncset.done $0x0  }
0x28: {  	s31 =	simm.s32 $0x4000;
	[sflag:s19] =	ssyncadd.s32 $0xFFFFD800  }
0x29: {  	[spmem:s2] =	stream.indirect.scatter.add.f32 [tilespmem:s18], [sflag:$0x2], $0x80, s31, s17, $0xb8;
	[tilespmem:$0x1E080] =	vst v63  }
0x2a: {  	_ =	swait.ge [sflag:s15], $0x2800  }
0x2b: {  	s22 =	simm.s32 $0x400;
	s21 =	simm.s32 $0x200;
	[sflag:s15] =	ssyncset.done $0x0  }
.LBB2_2:
0x2c: {  	s23 =	sshra.s32 s21, $0x2  }
0x2d: {  	[sflag:s15] =	ssyncadd.s32 $0xFFFFD800;
	s21 =	smov.u32 s22;
	s24 =	sadd.s32 $0x200, s22  }
0x2e: {  	[tilespmem:s18], [sflag:$0x1] =	stream.indirect.gather [hbm4b:s4+s17], $0x80, s23, s17, $0xb8;
	[tilespmem:$0x1E080] =	vst v63  }
0x2f: {  	p1 =	sne.s32 s22, $0xF800;
	_ =	swait.ge [sflag:s19], $0x2800  }
.Ltmp0:
0x30: {  	[sflag:s19] =	ssyncset.done $0x0;
	(pc) =	sbr.rel @p1 .LBB2_2-.Ltmp0, $4  }
0x31: {  	s22 =	sadd.s32 $0x4000, s23;
	[sflag:s19] =	ssyncadd.s32 $0xFFFFD800  }
0x32: {  	[spmem:s2] =	stream.indirect.scatter.add.f32 [tilespmem:s18], [sflag:$0x2], $0x80, s22, s17, $0xb8;
	[tilespmem:$0x1E080] =	vst v63  }
0x33: {  	_ =	swait.ge [sflag:s15], $0x2800  }
0x34: {  	s22 =	smov.u32 s24;
	[sflag:s15] =	ssyncset.done $0x0  }
0x35: {  	s21 =	sshra.s32 s21, $0x2;
	[sflag:s15] =	ssyncadd.s32 $0xFFFFD800  }
0x36: {  	[tilespmem:s18], [sflag:$0x1] =	stream.indirect.gather [hbm4b:s4+s17], $0x80, s21, s17, $0xb8;
	[tilespmem:$0x1E080] =	vst v63  }
0x37: {  	_ =	swait.ge [sflag:s19], $0x2800  }
0x38: {  	[sflag:s19] =	ssyncset.done $0x0  }
0x39: {  	s21 =	sadd.s32 $0x4000, s21;
	[sflag:s19] =	ssyncadd.s32 $0xFFFFD800  }
0x3a: {  	[spmem:s2] =	stream.indirect.scatter.add.f32 [tilespmem:s18], [sflag:$0x2], $0x80, s21, s17, $0xb8;
	[tilespmem:$0x1E080] =	vst v63  }
0x3b: {  	_ =	swait.ge [sflag:s15], $0x2800  }
0x3c: {  	[sflag:s15] =	ssyncset.done $0x0  }
0x3d: {  	[sflag:s15] =	ssyncadd.s32 $0xFFFFD800  }
0x3e: {  	s21 =	simm.s32 @p0 $0x1FC2;
	[bflag:$0x0] =	sbarrier.arrive $0xFFFF  }
0x3f: {  	[hbm:s10], [sflag:s21] =	dma.local @p0 [spmem:s12], $0x2800  }
0x40: {  	s21 =	simm.s32 @p0 $0x2  }
0x41: {  	s20 =	sadd.s32 $0x1, s20;
	_ =	swait.ge @p0 [sflag:s21], $0x2800  }
0x42: {  	p1 =	sne.s32 s20, s11;
	[sflag:s21] =	ssyncset.done @p0 $0x0  }
.Ltmp1:
0x43: {  	[sflag:s21] =	ssyncadd.s32 @p0 $0xFFFFD800;
	s21 =	simm.s32 @!p0 $0x2;
	(pc) =	sbr.rel @p1 .LBB2_1-.Ltmp1, $4  }
0x44: {  	[hbm:s9], [sflag:s13] =	dma.local @!p0 [spmem:s14], $0x2700  }
0x45: {  	_ =	swait.ge @!p0 [sflag:s21], $0x2700  }
0x46: {  	[sflag:s21] =	ssyncset.done @!p0 $0x0  }
0x47: {  	[sflag:s21] =	ssyncadd.s32 @!p0 $0xFFFFD900  }
0x48: {  	_ =	sfence.sel $0x180000  }
0x49: {  	[bflag:$0x0] =	sbarrier.arrive $0xFFFF  }
0x4a: {  	p0 =	sne.s32 s1, $0x0;
	_ =	strace $0x9000004A  }
0x4b: {  	s0 =	sadd.s32 @!p0 $0x100000, s0;
	[bflag:$0x2] =	sbarrier.arrive $0xFFFF  }
0x4c: {  	[sflag:s0] =	ssyncadd.tile.s32 @!p0 $0x1;
	_ =	shalt  }
.Lfunc_end2:
_tile_overlayer_lowered:
.L_overlay_start_2:
0x4d: {  	(tag) =	ssettag $0x2  }
0x4e: {  	s0 =	rddreg [dreg:$0x0];
	s2 =	stileid.u32  }
0x4f: {  	s1 =	rddreg [dreg:$0x1];
	p0 =	sne.s32 s2, $0x0  }
0x50: {  	s3 =	rddreg [dreg:$0x2];
	[bflag:$0x3] =	sbarrier.arrive $0xFFFF;
	s2 =	simm.s32 @!p0 $0x1C02  }
0x51: {  	[timem:s3], [sflag:s2] =	dma.local @!p0 [hbm:s0], s1  }
0x52: {  	s0 =	simm.s32 @!p0 $0x2  }
0x53: {  	_ =	swait.ge @!p0 [sflag:s0], s1  }
0x54: {  	s1 =	ssub.s32 @!p0 $0x0, s1;
	[sflag:s0] =	ssyncset.done @!p0 $0x0  }
0x55: {  	[sflag:s0] =	ssyncadd.s32 @!p0 s1  }
0x56: {  	[bflag:$0x3] =	sbarrier.arrive $0xFFFF  }
0x57: {  	_ =	shalt  }

// kernel: kernel.14.cloned.1.call-start
scs
__scs_entry_jumppad:
0x0: {  	(pc) =	sbr.rel $0x88, $3  }
0x1: {  	(tag) =	ssettag $0x0;
	lr =	simm.s32 $0x1  }
0x2: {  	[smem:$0x3F8C] =	sst lr;
	_ =	strace $0xD0000000  }
0x3: {  	_ = 	snop  }
0x4: {  	_ = 	snop  }
0x5: {  	_ = 	snop  }
0x6: {  	_ = 	snop  }
0x7: {  	_ = 	snop  }
__scs_overlays_trampoline_lowered:
0x8: {  	[smem:$0x3F9B] =	sst s0  }
0x9: {  	[smem:$0x3F9C] =	sst s1  }
0xa: {  	[smem:$0x3F9D] =	sst s2  }
0xb: {  	[smem:$0x3F9E] =	sst s3  }
0xc: {  	[smem:$0x3F9F] =	sst s4  }
0xd: {  	[smem:$0x3FA0] =	sst s5  }
0xe: {  	[smem:$0x3FA1] =	sst s6  }
0xf: {  	[smem:$0x3FA2] =	sst s7  }
0x10: {  	[smem:$0x3FA3] =	sst s8  }
0x11: {  	[smem:$0x3FA4] =	sst s9;
	s0 =	simm.s32 @!p0 $0x0  }
0x12: {  	s1 =	sld [smem:$0x3F8A];
	s0 =	simm.s32 @p0 $0x1  }
0x13: {  	[smem:$0x3FA5] =	sst s0;
	s0 =	simm.s32 @!p1 $0x0  }
0x14: {  	s2 =	sld [smem:$0x3F89];
	s0 =	simm.s32 @p1 $0x1  }
0x15: {  	[smem:$0x3FA6] =	sst s0;
	s0 =	simm.s32 @!p2 $0x0  }
0x16: {  	s3 =	sld [smem:$0x3FDB];
	s0 =	simm.s32 @p2 $0x1  }
0x17: {  	s4 =	simm.s32 $0x1BF5;
	[smem:$0x3FA8] =	sst s0  }
0x18: {  	s0 =	sld [smem:$0x3F8B];
	_ =	swait.ge [sflag:s4], $0x0  }
0x19: {  	s7 =	sld [smem:$0x3F8C]  }
0x1a: {  	s8 =	sadd.s32 $0xFFFFE003, lr  }
0x1b: {  	s9 =	sadd.s32 $0xFFFFFEF7, lr;
	s5 =	simm.s32 $0xFFFFFFFF;
	p2 =	slt.u32 s8, $0xFFFFF086  }
0x1c: {  	p1 =	slt.u32 s9, $0xF7A;
	s5 =	simm.s32 @!p2 $0x0  }
0x1d: {  	s5 =	simm.s32 @p1 $0x1;
	p0 =	seq.s32 s7, s2  }
0x1e: {  	s7 =	smul.u32 @!p0 $0xF7A, s2;
	p2 =	seq.s32 @!p0 s5, $0x0  }
0x1f: {  	s9 =	smul.u32 $0xF7A, s1;
	s8 =	simm.s32 @!p0 $0x1BF5;
	p2 =	por !p2, p0  }
0x20: {  	[sflag:s8] =	ssyncset.s32 @!p0 $0xFFFFF086;
	s6 =	sadd.s32 @!p0 s3, s7;
	s7 =	simm.s32 @!p0 $0x108  }
0x21: {  	s3 =	sadd.s32 s3, s9;
	s6 =	sadd.s32 @!p0 $0x88, s6;
	s7 =	simm.s32 @p2 $0x1082  }
0x22: {  	[simem:s7], [sflag:s8] =	dma.local @!p0 [hbm:s6], $0xF7A  }
0x23: {  	s9 =	sor.u32 $0xD0000000, s2;
	s6 =	simm.s32 $0x108;
	_ =	swait.ge @!p0 [sflag:s8], $0x0  }
0x24: {  	s3 =	sadd.s32 $0x88, s3;
	s6 =	simm.s32 @!p1 $0x1082;
	[sflag:s4] =	ssyncset.s32 $0xFFFFF086  }
0x25: {  	[simem:s6], [sflag:s4] =	dma.local [hbm:s3], $0xF7A  }
0x26: {  	[smem:$0x3F8C] =	sst s1;
	(tag) =	ssettag s2;
	_ =	strace s9  }
0x27: {  	s1 =	sld [smem:$0x3F9C]  }
0x28: {  	s2 =	sld [smem:$0x3F9D]  }
0x29: {  	s4 =	sld [smem:$0x3F9F]  }
0x2a: {  	p0 =	seq.s32 s5, $0x0;
	s5 =	sld [smem:$0x3FA0]  }
0x2b: {  	s6 =	sld [smem:$0x3FA1]  }
0x2c: {  	s7 =	sld [smem:$0x3FA2]  }
0x2d: {  	s3 =	simm.s32 $0x108;
	s8 =	sld [smem:$0x3FA3]  }
0x2e: {  	s3 =	simm.s32 @!p0 $0x1082;
	s9 =	sld [smem:$0x3FA4]  }
0x2f: {  	lr =	sadd.s32 s0, s3;
	s0 =	sld [smem:$0x3F9B]  }
0x30: {  	s3 =	sld [smem:$0x3F9E]  }
0x31: {  	[smem:$0x3FA7] =	sst s10  }
0x32: {  	s10 =	sld [smem:$0x3FA5];
	_ =	sdelay $0x3  }
0x33: {  	p0 =	seq.s32 s10, $0x1;
	s10 =	sld [smem:$0x3FA7];
	_ =	sdelay $0x3  }
0x34: {  	[smem:$0x3FA7] =	sst s10  }
0x35: {  	s10 =	sld [smem:$0x3FA6];
	_ =	sdelay $0x3  }
0x36: {  	p1 =	seq.s32 s10, $0x1;
	s10 =	sld [smem:$0x3FA7];
	_ =	sdelay $0x3  }
0x37: {  	[smem:$0x3FA7] =	sst s10  }
0x38: {  	s10 =	sld [smem:$0x3FA8]  }
0x39: {  	_ = 	snop;
	(pc) =	sbr.ind lr, $3  }
0x3a: {  	_ = 	snop  }
0x3b: {  	_ = 	snop  }
0x3c: {  	p2 =	seq.s32 s10, $0x1;
	s10 =	sld [smem:$0x3FA7]  }
0x3d: {  	_ =	shalt  }
0x3e: {  	_ =	shalt  }
0x3f: {  	_ =	shalt  }
0x40: {  	_ =	shalt  }
0x41: {  	_ =	shalt  }
0x42: {  	_ =	shalt  }
0x43: {  	_ =	shalt  }
0x44: {  	_ =	shalt  }
0x45: {  	_ =	shalt  }
0x46: {  	_ =	shalt  }
0x47: {  	_ =	shalt  }
0x48: {  	_ =	shalt  }
0x49: {  	_ =	shalt  }
0x4a: {  	_ =	shalt  }
0x4b: {  	_ =	shalt  }
0x4c: {  	_ =	shalt  }
0x4d: {  	_ =	shalt  }
0x4e: {  	_ =	shalt  }
0x4f: {  	_ =	shalt  }
0x50: {  	_ =	shalt  }
0x51: {  	_ =	shalt  }
0x52: {  	_ =	shalt  }
0x53: {  	_ =	shalt  }
0x54: {  	_ =	shalt  }
0x55: {  	_ =	shalt  }
0x56: {  	_ =	shalt  }
0x57: {  	_ =	shalt  }
0x58: {  	_ =	shalt  }
0x59: {  	_ =	shalt  }
0x5a: {  	_ =	shalt  }
0x5b: {  	_ =	shalt  }
0x5c: {  	_ =	shalt  }
0x5d: {  	_ =	shalt  }
0x5e: {  	_ =	shalt  }
0x5f: {  	_ =	shalt  }
0x60: {  	_ =	shalt  }
0x61: {  	_ =	shalt  }
0x62: {  	_ =	shalt  }
0x63: {  	_ =	shalt  }
0x64: {  	_ =	shalt  }
0x65: {  	_ =	shalt  }
0x66: {  	_ =	shalt  }
0x67: {  	_ =	shalt  }
0x68: {  	_ =	shalt  }
0x69: {  	_ =	shalt  }
0x6a: {  	_ =	shalt  }
0x6b: {  	_ =	shalt  }
0x6c: {  	_ =	shalt  }
0x6d: {  	_ =	shalt  }
0x6e: {  	_ =	shalt  }
0x6f: {  	_ =	shalt  }
0x70: {  	_ =	shalt  }
0x71: {  	_ =	shalt  }
0x72: {  	_ =	shalt  }
0x73: {  	_ =	shalt  }
0x74: {  	_ =	shalt  }
0x75: {  	_ =	shalt  }
0x76: {  	_ =	shalt  }
0x77: {  	_ =	shalt  }
0x78: {  	_ =	shalt  }
0x79: {  	_ =	shalt  }
0x7a: {  	_ =	shalt  }
0x7b: {  	_ =	shalt  }
0x7c: {  	_ =	shalt  }
0x7d: {  	_ =	shalt  }
0x7e: {  	_ =	shalt  }
0x7f: {  	_ =	shalt  }
0x80: {  	_ =	shalt  }
0x81: {  	_ =	shalt  }
0x82: {  	_ =	shalt  }
0x83: {  	_ =	shalt  }
0x84: {  	_ =	shalt  }
0x85: {  	_ =	shalt  }
0x86: {  	_ =	shalt  }
0x87: {  	_ =	shalt  }
.Lfunc_end0:
.L_simem_size_0:
called_computation.2_lowered:
.L_overlay_start_0:
0x88: {  	s2 =	sld [smem:$0x3FD9]  }
0x89: {  	s3 =	sld [smem:$0x3FFE];
	_ =	sdelay $0x1  }
0x8a: {  	s1 =	srdreg.scid  }
0x8b: {  	s0 =	sand.u32 $0x1, s1  }
0x8c: {  	s16 =	sshll.u32 s0, $0xA;
	s2 =	sadd.s32 s3, s2  }
0x8d: {  	s2 =	sadd.s32 s2, s16  }
0x8e: {  	[smem:$0x3FB3] =	sst s2  }
0x8f: {  	_ = 	snop  }
0x90: {  	(tm) =	ssettm $0x1  }
0x91: {  	s17 =	sld [smem:$0x3FFB];
	_ =	sdelay $0x3  }
0x92: {  	_ =	strace s17  }
0x93: {  	s2 =	sld [smem:$0x3FFC];
	_ =	sdelay $0x3  }
0x94: {  	_ =	strace s2  }
0x95: {  	s2 =	sld [smem:$0x3FFD];
	_ =	sdelay $0x3  }
0x96: {  	_ =	strace s2  }
0x97: {  	_ =	strace $0x8FFFFFFF  }
0x98: {  	s18 =	sld [smem:$0x3FDB];
	_ =	sdelay $0x1  }
0x99: {  	s19 =	simm.s32 $_scs_section_size  }
0x9a: {  	s4 =	simm.s32 $_size__tile_overlayer_lowered;
	s5 =	simm.s32 $_tile_overlayer_lowered  }
0x9b: {  	s22 =	simm.s32 $0x1BFF;
	s21 =	sshll.u32 s5, $0x1;
	s2 =	sadd.s32 s19, s18  }
0x9c: {  	s6 =	simm.s32 $0x0;
	s20 =	sshll.u32 s4, $0x1;
	s4 =	sadd.s32 s21, s2  }
0x9d: {  	[timem:s6], [sflag:s22] =	dma.local [hbm:s4], s20  }
0x9e: {  	_ =	swait.ge [sflag:s22], s20  }
0x9f: {  	s3 =	ssub.s32 $0x0, s20;
	[sflag:s22] =	ssyncset.done $0x0  }
0xa0: {  	[sflag:s22] =	ssyncadd.s32 s3;
	_ =	sdelay $0x1  }
0xa1: {  	s23 =	simm.s32 $0x1B8B  }
0xa2: {  	_ =	swait.ge [sflag:s23], $0x1  }
0xa3: {  	[sflag:s23] =	ssyncset.done $0x0  }
0xa4: {  	s25 =	simm.s32 $0x1B8E;
	s24 =	sld [smem:$0x3FFE];
	[sflag:s23] =	ssyncadd.s32 $0xFFFFFFFF  }
0xa5: {  	s26 =	simm.s32 $execute0_lowered;
	[smem:$0x3FD2] =	sst s25  }
0xa6: {  	s4 =	sshll.u32 s26, $0x1;
	_ =	strace $0x8000004C;
	[dreg:$0x1] =	wrdreg $0xFFFFFFFF  }
0xa7: {  	s28 =	simm.s32 $_size_execute0_lowered;
	s2 =	sadd.s32 s2, s4;
	[dreg:$0x0] =	wrdreg $0x0  }
0xa8: {  	s4 =	sshll.u32 s28, $0x1;
	[dreg:$0x2] =	wrdreg s2  }
0xa9: {  	[dreg:$0x3] =	wrdreg s4  }
0xaa: {  	[dreg:$0x4] =	wrdreg $0xC0  }
0xab: {  	_ =	task [dreg:s6], $0x5FFFF  }
0xac: {  	[dreg:$0x1] =	wrdreg $0xFFFFFFFF  }
0xad: {  	[dreg:$0x0] =	wrdreg $0x60  }
0xae: {  	[dreg:$0x2] =	wrdreg s24  }
0xaf: {  	[dreg:$0x3] =	wrdreg $0x9  }
0xb0: {  	_ =	task.clear_ibuf [dreg:s6], $0x4FFFF;
	_ =	strace $0x9000004C  }
0xb1: {  	s29 =	simm.s32 $0x9;
	_ =	strace $0x8000004E  }
0xb2: {  	_ =	swait.ge [sflag:s29], $0x1  }
0xb3: {  	[sflag:s29] =	ssyncadd.s32 $0xFFFFFFFF  }
0xb4: {  	_ =	strace $0x9000004E  }
0xb5: {  	_ =	sfence  }
0xb6: {  	s30 =	sld [smem:$0x0];
	_ =	sdelay $0x2  }
0xb7: {  	s31 =	sshll.u32 s1, $0xD;
	s1 =	sshrl.u32 s1, $0x2  }
0xb8: {  	s3 =	sand.u32 $0x4000, s31;
	s1 =	sadd.s32 s1, s30  }
0xb9: {  	s0 =	sor.u32 s3, s0;
	s1 =	sshll.u32 s1, $0x11  }
0xba: {  	s0 =	sor.u32 s1, s0  }
0xbb: {  	s0 =	sadd.s32 $0x8F2B, s0  }
0xbc: {  	[sflag:s0] =	ssyncadd.remote.s32 $0x1  }
0xbd: {  	_ =	sfence.sel $0xFFFF  }
0xbe: {  	[dreg:$0x0] =	wrdreg $0xFFFFFFFF;
	(pc) =	sbr.abs _section_cstart, $3  }
0xbf: {  	[dreg:$0x1] =	wrdreg $0xFFFFFFFF  }
0xc0: {  	_ =	task.clear_ibuf [dreg:s6], $0x2FFFF;
	_ =	strace $0x9FFFFFFF  }
0xc1: {  	(tm) =	ssettm $0x7FFFFFFF  }
tec
execute0_lowered:
.L_overlay_start_1:
0x0: {  	(tag) =	ssettag $0x1  }
0x1: {  	s5 =	rddreg [dreg:$0x0];
	s2 =	srdreg.scid  }
0x2: {  	s0 =	rddreg [dreg:$0x1];
	s1 =	stileid.u32  }
0x3: {  	s10 =	simm.s32 $0x3;
	s11 =	simm.s32 $0x4000;
	s12 =	simm.s32 $0x50  }
0x4: {  	s13 =	simm.s32 $0x8000;
	s14 =	simm.s32 $0xA800;
	s15 =	simm.s32 $0x1  }
0x5: {  	s16 =	simm.s32 $0x2;
	s17 =	simm.s32 $0x0;
	s4 =	sand.u32 $0x1, s2  }
0x6: {  	s2 =	simm.s32 $0x0;
	s3 =	sshll.u32 s1, $0xB;
	s9 =	smul.u32 $0x27100, s1  }
0x7: {  	s6 =	sshll.u32 s4, $0xF;
	[smem:$0x7FF] =	sst s2;
	s7 =	smul.u32 $0x271000, s4  }
0x8: {  	s8 =	ssub.s32 $0x2, s4;
	s4 =	sadd.s32 $0x2AC00, s5;
	s3 =	sor.u32 s3, s6  }
0x9: {  	_ =	strace $0x8000004D;
	s31 =	sshrl.u32 s8, $0x1;
	s6 =	sadd.s32 s3, s5  }
0xa: {  	s3 =	sadd.s32 $0x3A00, s5;
	s7 =	sadd.s32 s7, s5;
	s8 =	ssub.s32 s8, s31  }
0xb: {  	s5 =	sadd.s32 $0x72400, s6;
	s9 =	sadd.s32 s9, s7;
	s6 =	sadd.s32 $0x82400, s6  }
0xc: {  	s7 =	smax.u32 s8, $0x1;
	s8 =	sadd.s32 $0x92400, s9;
	s9 =	sadd.s32 $0x574400, s9  }
.LBB2_1:
0xd: {  	[tilespmem:s2], [sflag:$0x3] =	stream.linear.gather [hbm4b:s5+s2], $0x3E80, $0x38;
	[tilespmem:$0xD000] =	vst v63  }
0xe: {  	_ =	swait.ge [sflag:s10], $0x3E80  }
0xf: {  	[sflag:s10] =	ssyncset.done $0x0  }
0x10: {  	[sflag:s10] =	ssyncadd.s32 $0xFFFFC180  }
0x11: {  	[tilespmem:s11], [sflag:$0x3] =	stream.linear.gather [hbm4b:s6+s2], $0x3E80, $0x38;
	[tilespmem:$0xD000] =	vst v63  }
0x12: {  	_ =	swait.ge [sflag:s10], $0x3E80  }
0x13: {  	[sflag:s10] =	ssyncset.done $0x0  }
0x14: {  	s18 =	simm.s32 $0x0;
	[sflag:s10] =	ssyncadd.s32 $0xFFFFC180  }
0x15: {  	[tilespmem:s13], [sflag:$0x1] =	stream.indirect.gather [hbm4b:s3+s12], $0x80, s18, s12, $0xb8;
	[tilespmem:$0xD000] =	vst v63  }
0x16: {  	s31 =	simm.s32 $0x4000  }
0x17: {  	[tilespmem:s14], [sflag:$0x2] =	stream.indirect.gather [hbm4b:s4+s12], $0x80, s31, s12, $0xb8;
	[tilespmem:$0xD000] =	vst v63  }
0x18: {  	_ =	swait.ge [sflag:s15], $0x2800  }
0x19: {  	[sflag:s15] =	ssyncset.done $0x0  }
0x1a: {  	[sflag:s15] =	ssyncadd.s32 $0xFFFFD800  }
0x1b: {  	_ =	swait.ge [sflag:s16], $0x2800  }
0x1c: {  	[sflag:s16] =	ssyncset.done $0x0  }
0x1d: {  	[sflag:s16] =	ssyncadd.s32 $0xFFFFD800  }
0x1e: {  	[hbm4b:s8+s2] =	stream.linear.scatter [tilespmem:s13], [sflag:$0x3], $0x2800, $0x38;
	[tilespmem:$0xD000] =	vst v63  }
0x1f: {  	_ =	swait.ge [sflag:s10], $0x2800  }
0x20: {  	[sflag:s10] =	ssyncset.done $0x0  }
0x21: {  	[sflag:s10] =	ssyncadd.s32 $0xFFFFD800  }
0x22: {  	[hbm4b:s9+s2] =	stream.linear.scatter [tilespmem:s14], [sflag:$0x3], $0x2800, $0x38;
	[tilespmem:$0xD000] =	vst v63  }
0x23: {  	s20 =	simm.s32 $0x200;
	s21 =	simm.s32 $0x400;
	_ =	swait.ge [sflag:s10], $0x2800  }
0x24: {  	s19 =	sadd.s32 $0x500, s8;
	s18 =	sadd.s32 $0x500, s9;
	[sflag:s10] =	ssyncset.done $0x0  }
.LBB2_2:
0x25: {  	s22 =	sshra.s32 s20, $0x2  }
0x26: {  	[sflag:s10] =	ssyncadd.s32 $0xFFFFD800;
	s20 =	smov.u32 s21;
	s23 =	sadd.s32 $0x200, s21  }
0x27: {  	[tilespmem:s13], [sflag:$0x1] =	stream.indirect.gather [hbm4b:s3+s12], $0x80, s22, s12, $0xb8;
	[tilespmem:$0xD000] =	vst v63  }
0x28: {  	p0 =	sne.s32 s21, $0xF800;
	s21 =	sadd.s32 $0x4000, s22  }
0x29: {  	[tilespmem:s14], [sflag:$0x2] =	stream.indirect.gather [hbm4b:s4+s12], $0x80, s21, s12, $0xb8;
	[tilespmem:$0xD000] =	vst v63  }
0x2a: {  	_ =	swait.ge [sflag:s15], $0x2800  }
0x2b: {  	[sflag:s15] =	ssyncset.done $0x0  }
0x2c: {  	[sflag:s15] =	ssyncadd.s32 $0xFFFFD800  }
0x2d: {  	_ =	swait.ge [sflag:s16], $0x2800  }
0x2e: {  	[sflag:s16] =	ssyncset.done $0x0  }
0x2f: {  	[sflag:s16] =	ssyncadd.s32 $0xFFFFD800  }
0x30: {  	[hbm4b:s19+s2] =	stream.linear.scatter [tilespmem:s13], [sflag:$0x3], $0x2800, $0x38;
	[tilespmem:$0xD000] =	vst v63  }
0x31: {  	_ =	swait.ge [sflag:s10], $0x2800  }
.Ltmp0:
0x32: {  	[sflag:s10] =	ssyncset.done $0x0;
	(pc) =	sbr.rel @p0 .LBB2_2-.Ltmp0, $4  }
0x33: {  	[sflag:s10] =	ssyncadd.s32 $0xFFFFD800  }
0x34: {  	[hbm4b:s18+s2] =	stream.linear.scatter [tilespmem:s14], [sflag:$0x3], $0x2800, $0x38;
	[tilespmem:$0xD000] =	vst v63  }
0x35: {  	s21 =	smov.u32 s23;
	_ =	swait.ge [sflag:s10], $0x2800  }
0x36: {  	s19 =	sadd.s32 $0x500, s19;
	s18 =	sadd.s32 $0x500, s18;
	[sflag:s10] =	ssyncset.done $0x0  }
0x37: {  	s20 =	sshra.s32 s20, $0x2;
	[sflag:s10] =	ssyncadd.s32 $0xFFFFD800  }
0x38: {  	[tilespmem:s13], [sflag:$0x1] =	stream.indirect.gather [hbm4b:s3+s12], $0x80, s20, s12, $0xb8;
	[tilespmem:$0xD000] =	vst v63  }
0x39: {  	s20 =	sadd.s32 $0x4000, s20  }
0x3a: {  	[tilespmem:s14], [sflag:$0x2] =	stream.indirect.gather [hbm4b:s4+s12], $0x80, s20, s12, $0xb8;
	[tilespmem:$0xD000] =	vst v63  }
0x3b: {  	_ =	swait.ge [sflag:s15], $0x2800  }
0x3c: {  	[sflag:s15] =	ssyncset.done $0x0  }
0x3d: {  	[sflag:s15] =	ssyncadd.s32 $0xFFFFD800  }
0x3e: {  	_ =	swait.ge [sflag:s16], $0x2800  }
0x3f: {  	[sflag:s16] =	ssyncset.done $0x0  }
0x40: {  	[sflag:s16] =	ssyncadd.s32 $0xFFFFD800  }
0x41: {  	[hbm4b:s19+s2] =	stream.linear.scatter [tilespmem:s13], [sflag:$0x3], $0x2800, $0x38;
	[tilespmem:$0xD000] =	vst v63  }
0x42: {  	s17 =	sadd.s32 $0x1, s17;
	_ =	swait.ge [sflag:s10], $0x2800  }
0x43: {  	p0 =	sne.s32 s17, s7;
	[sflag:s10] =	ssyncset.done $0x0  }
.Ltmp1:
0x44: {  	[sflag:s10] =	ssyncadd.s32 $0xFFFFD800;
	(pc) =	sbr.rel @p0 .LBB2_1-.Ltmp1, $4  }
0x45: {  	[hbm4b:s18+s2] =	stream.linear.scatter [tilespmem:s14], [sflag:$0x3], $0x2800, $0x38;
	[tilespmem:$0xD000] =	vst v63  }
0x46: {  	_ =	swait.ge [sflag:s10], $0x2800  }
0x47: {  	[sflag:s10] =	ssyncset.done $0x0  }
0x48: {  	[sflag:s10] =	ssyncadd.s32 $0xFFFFD800  }
0x49: {  	_ =	sfence.sel $0x180000  }
0x4a: {  	[bflag:$0x0] =	sbarrier.arrive $0xFFFF  }
0x4b: {  	p0 =	sne.s32 s1, $0x0;
	_ =	strace $0x9000004D  }
0x4c: {  	s0 =	sadd.s32 @!p0 $0x100000, s0;
	[bflag:$0x2] =	sbarrier.arrive $0xFFFF  }
0x4d: {  	[sflag:s0] =	ssyncadd.tile.s32 @!p0 $0x1;
	_ =	shalt  }
.Lfunc_end2:
_tile_overlayer_lowered:
.L_overlay_start_2:
0x4e: {  	(tag) =	ssettag $0x2  }
0x4f: {  	s0 =	rddreg [dreg:$0x0];
	s2 =	stileid.u32  }
0x50: {  	s1 =	rddreg [dreg:$0x1];
	p0 =	sne.s32 s2, $0x0  }
0x51: {  	s3 =	rddreg [dreg:$0x2];
	[bflag:$0x3] =	sbarrier.arrive $0xFFFF;
	s2 =	simm.s32 @!p0 $0x1C03  }
0x52: {  	[timem:s3], [sflag:s2] =	dma.local @!p0 [hbm:s0], s1  }
0x53: {  	s0 =	simm.s32 @!p0 $0x3  }
0x54: {  	_ =	swait.ge @!p0 [sflag:s0], s1  }
0x55: {  	s1 =	ssub.s32 @!p0 $0x0, s1;
	[sflag:s0] =	ssyncset.done @!p0 $0x0  }
0x56: {  	[sflag:s0] =	ssyncadd.s32 @!p0 s1  }
0x57: {  	[bflag:$0x3] =	sbarrier.arrive $0xFFFF  }
0x58: {  	_ =	shalt  }

// kernel: kernel.8.cloned.1.call-start
scs
__scs_entry_jumppad:
0x0: {  	(pc) =	sbr.rel $0x88, $3  }
0x1: {  	(tag) =	ssettag $0x0;
	lr =	simm.s32 $0x1  }
0x2: {  	[smem:$0x3F8C] =	sst lr;
	_ =	strace $0xD0000000  }
0x3: {  	_ = 	snop  }
0x4: {  	_ = 	snop  }
0x5: {  	_ = 	snop  }
0x6: {  	_ = 	snop  }
0x7: {  	_ = 	snop  }
__scs_overlays_trampoline_lowered:
0x8: {  	[smem:$0x3F9B] =	sst s0  }
0x9: {  	[smem:$0x3F9C] =	sst s1  }
0xa: {  	[smem:$0x3F9D] =	sst s2  }
0xb: {  	[smem:$0x3F9E] =	sst s3  }
0xc: {  	[smem:$0x3F9F] =	sst s4  }
0xd: {  	[smem:$0x3FA0] =	sst s5  }
0xe: {  	[smem:$0x3FA1] =	sst s6  }
0xf: {  	[smem:$0x3FA2] =	sst s7  }
0x10: {  	[smem:$0x3FA3] =	sst s8  }
0x11: {  	[smem:$0x3FA4] =	sst s9;
	s0 =	simm.s32 @!p0 $0x0  }
0x12: {  	s1 =	sld [smem:$0x3F8A];
	s0 =	simm.s32 @p0 $0x1  }
0x13: {  	[smem:$0x3FA5] =	sst s0;
	s0 =	simm.s32 @!p1 $0x0  }
0x14: {  	s2 =	sld [smem:$0x3F89];
	s0 =	simm.s32 @p1 $0x1  }
0x15: {  	[smem:$0x3FA6] =	sst s0;
	s0 =	simm.s32 @!p2 $0x0  }
0x16: {  	s3 =	sld [smem:$0x3FDB];
	s0 =	simm.s32 @p2 $0x1  }
0x17: {  	s4 =	simm.s32 $0x1BF5;
	[smem:$0x3FA8] =	sst s0  }
0x18: {  	s0 =	sld [smem:$0x3F8B];
	_ =	swait.ge [sflag:s4], $0x0  }
0x19: {  	s7 =	sld [smem:$0x3F8C]  }
0x1a: {  	s8 =	sadd.s32 $0xFFFFE003, lr  }
0x1b: {  	s9 =	sadd.s32 $0xFFFFFEF7, lr;
	s5 =	simm.s32 $0xFFFFFFFF;
	p2 =	slt.u32 s8, $0xFFFFF086  }
0x1c: {  	p1 =	slt.u32 s9, $0xF7A;
	s5 =	simm.s32 @!p2 $0x0  }
0x1d: {  	s5 =	simm.s32 @p1 $0x1;
	p0 =	seq.s32 s7, s2  }
0x1e: {  	s7 =	smul.u32 @!p0 $0xF7A, s2;
	p2 =	seq.s32 @!p0 s5, $0x0  }
0x1f: {  	s9 =	smul.u32 $0xF7A, s1;
	s8 =	simm.s32 @!p0 $0x1BF5;
	p2 =	por !p2, p0  }
0x20: {  	[sflag:s8] =	ssyncset.s32 @!p0 $0xFFFFF086;
	s6 =	sadd.s32 @!p0 s3, s7;
	s7 =	simm.s32 @!p0 $0x108  }
0x21: {  	s3 =	sadd.s32 s3, s9;
	s6 =	sadd.s32 @!p0 $0x88, s6;
	s7 =	simm.s32 @p2 $0x1082  }
0x22: {  	[simem:s7], [sflag:s8] =	dma.local @!p0 [hbm:s6], $0xF7A  }
0x23: {  	s9 =	sor.u32 $0xD0000000, s2;
	s6 =	simm.s32 $0x108;
	_ =	swait.ge @!p0 [sflag:s8], $0x0  }
0x24: {  	s3 =	sadd.s32 $0x88, s3;
	s6 =	simm.s32 @!p1 $0x1082;
	[sflag:s4] =	ssyncset.s32 $0xFFFFF086  }
0x25: {  	[simem:s6], [sflag:s4] =	dma.local [hbm:s3], $0xF7A  }
0x26: {  	[smem:$0x3F8C] =	sst s1;
	(tag) =	ssettag s2;
	_ =	strace s9  }
0x27: {  	s1 =	sld [smem:$0x3F9C]  }
0x28: {  	s2 =	sld [smem:$0x3F9D]  }
0x29: {  	s4 =	sld [smem:$0x3F9F]  }
0x2a: {  	p0 =	seq.s32 s5, $0x0;
	s5 =	sld [smem:$0x3FA0]  }
0x2b: {  	s6 =	sld [smem:$0x3FA1]  }
0x2c: {  	s7 =	sld [smem:$0x3FA2]  }
0x2d: {  	s3 =	simm.s32 $0x108;
	s8 =	sld [smem:$0x3FA3]  }
0x2e: {  	s3 =	simm.s32 @!p0 $0x1082;
	s9 =	sld [smem:$0x3FA4]  }
0x2f: {  	lr =	sadd.s32 s0, s3;
	s0 =	sld [smem:$0x3F9B]  }
0x30: {  	s3 =	sld [smem:$0x3F9E]  }
0x31: {  	[smem:$0x3FA7] =	sst s10  }
0x32: {  	s10 =	sld [smem:$0x3FA5];
	_ =	sdelay $0x3  }
0x33: {  	p0 =	seq.s32 s10, $0x1;
	s10 =	sld [smem:$0x3FA7];
	_ =	sdelay $0x3  }
0x34: {  	[smem:$0x3FA7] =	sst s10  }
0x35: {  	s10 =	sld [smem:$0x3FA6];
	_ =	sdelay $0x3  }
0x36: {  	p1 =	seq.s32 s10, $0x1;
	s10 =	sld [smem:$0x3FA7];
	_ =	sdelay $0x3  }
0x37: {  	[smem:$0x3FA7] =	sst s10  }
0x38: {  	s10 =	sld [smem:$0x3FA8]  }
0x39: {  	_ = 	snop;
	(pc) =	sbr.ind lr, $3  }
0x3a: {  	_ = 	snop  }
0x3b: {  	_ = 	snop  }
0x3c: {  	p2 =	seq.s32 s10, $0x1;
	s10 =	sld [smem:$0x3FA7]  }
0x3d: {  	_ =	shalt  }
0x3e: {  	_ =	shalt  }
0x3f: {  	_ =	shalt  }
0x40: {  	_ =	shalt  }
0x41: {  	_ =	shalt  }
0x42: {  	_ =	shalt  }
0x43: {  	_ =	shalt  }
0x44: {  	_ =	shalt  }
0x45: {  	_ =	shalt  }
0x46: {  	_ =	shalt  }
0x47: {  	_ =	shalt  }
0x48: {  	_ =	shalt  }
0x49: {  	_ =	shalt  }
0x4a: {  	_ =	shalt  }
0x4b: {  	_ =	shalt  }
0x4c: {  	_ =	shalt  }
0x4d: {  	_ =	shalt  }
0x4e: {  	_ =	shalt  }
0x4f: {  	_ =	shalt  }
0x50: {  	_ =	shalt  }
0x51: {  	_ =	shalt  }
0x52: {  	_ =	shalt  }
0x53: {  	_ =	shalt  }
0x54: {  	_ =	shalt  }
0x55: {  	_ =	shalt  }
0x56: {  	_ =	shalt  }
0x57: {  	_ =	shalt  }
0x58: {  	_ =	shalt  }
0x59: {  	_ =	shalt  }
0x5a: {  	_ =	shalt  }
0x5b: {  	_ =	shalt  }
0x5c: {  	_ =	shalt  }
0x5d: {  	_ =	shalt  }
0x5e: {  	_ =	shalt  }
0x5f: {  	_ =	shalt  }
0x60: {  	_ =	shalt  }
0x61: {  	_ =	shalt  }
0x62: {  	_ =	shalt  }
0x63: {  	_ =	shalt  }
0x64: {  	_ =	shalt  }
0x65: {  	_ =	shalt  }
0x66: {  	_ =	shalt  }
0x67: {  	_ =	shalt  }
0x68: {  	_ =	shalt  }
0x69: {  	_ =	shalt  }
0x6a: {  	_ =	shalt  }
0x6b: {  	_ =	shalt  }
0x6c: {  	_ =	shalt  }
0x6d: {  	_ =	shalt  }
0x6e: {  	_ =	shalt  }
0x6f: {  	_ =	shalt  }
0x70: {  	_ =	shalt  }
0x71: {  	_ =	shalt  }
0x72: {  	_ =	shalt  }
0x73: {  	_ =	shalt  }
0x74: {  	_ =	shalt  }
0x75: {  	_ =	shalt  }
0x76: {  	_ =	shalt  }
0x77: {  	_ =	shalt  }
0x78: {  	_ =	shalt  }
0x79: {  	_ =	shalt  }
0x7a: {  	_ =	shalt  }
0x7b: {  	_ =	shalt  }
0x7c: {  	_ =	shalt  }
0x7d: {  	_ =	shalt  }
0x7e: {  	_ =	shalt  }
0x7f: {  	_ =	shalt  }
0x80: {  	_ =	shalt  }
0x81: {  	_ =	shalt  }
0x82: {  	_ =	shalt  }
0x83: {  	_ =	shalt  }
0x84: {  	_ =	shalt  }
0x85: {  	_ =	shalt  }
0x86: {  	_ =	shalt  }
0x87: {  	_ =	shalt  }
.Lfunc_end0:
.L_simem_size_0:
called_computation_lowered:
.L_overlay_start_0:
0x88: {  	s2 =	sld [smem:$0x3FD9]  }
0x89: {  	s3 =	sld [smem:$0x3FFE];
	_ =	sdelay $0x1  }
0x8a: {  	s1 =	srdreg.scid  }
0x8b: {  	s0 =	sand.u32 $0x1, s1  }
0x8c: {  	s17 =	sshll.u32 s0, $0xA;
	s2 =	sadd.s32 s3, s2  }
0x8d: {  	s2 =	sadd.s32 s2, s17  }
0x8e: {  	[smem:$0x3FB3] =	sst s2  }
0x8f: {  	_ = 	snop  }
0x90: {  	s2 =	sld [smem:$0x3FC9]  }
0x91: {  	s18 =	sld [smem:$0x3FD0];
	(tm) =	ssettm $0x1  }
0x92: {  	s4 =	sld [smem:$0x3FFB];
	_ =	sdelay $0x3  }
0x93: {  	_ =	strace s4  }
0x94: {  	s4 =	sld [smem:$0x3FFC];
	_ =	sdelay $0x3  }
0x95: {  	_ =	strace s4  }
0x96: {  	s4 =	sld [smem:$0x3FFD];
	_ =	sdelay $0x3  }
0x97: {  	_ =	strace s4  }
0x98: {  	_ =	strace $0x8FFFFFFF  }
0x99: {  	s19 =	sld [smem:$0x3FDB];
	_ =	sdelay $0x1  }
0x9a: {  	s5 =	simm.s32 $_scs_section_size  }
0x9b: {  	s6 =	simm.s32 $_size__tile_overlayer_lowered;
	s7 =	simm.s32 $_tile_overlayer_lowered  }
0x9c: {  	s22 =	simm.s32 $0x1BFF;
	s21 =	sshll.u32 s7, $0x1;
	s4 =	sadd.s32 s5, s19  }
0x9d: {  	s8 =	simm.s32 $0x0;
	s20 =	sshll.u32 s6, $0x1;
	s6 =	sadd.s32 s21, s4  }
0x9e: {  	[timem:s8], [sflag:s22] =	dma.local [hbm:s6], s20  }
0x9f: {  	_ =	swait.ge [sflag:s22], s20  }
0xa0: {  	s5 =	ssub.s32 $0x0, s20;
	[sflag:s22] =	ssyncset.done $0x0  }
0xa1: {  	[sflag:s22] =	ssyncadd.s32 s5;
	_ =	sdelay $0x1  }
0xa2: {  	s23 =	simm.s32 $0x1B8B  }
0xa3: {  	_ =	swait.ge [sflag:s23], $0x1  }
0xa4: {  	[sflag:s23] =	ssyncset.done $0x0  }
0xa5: {  	s25 =	simm.s32 $0x1B8E;
	s24 =	sld [smem:$0x3FFE];
	[sflag:s23] =	ssyncadd.s32 $0xFFFFFFFF  }
0xa6: {  	s26 =	simm.s32 $execute0_lowered;
	[smem:$0x3FD2] =	sst s25  }
0xa7: {  	s6 =	sshll.u32 s26, $0x1;
	_ =	strace $0x80000046;
	[dreg:$0x1] =	wrdreg $0xFFFFFFFF  }
0xa8: {  	s28 =	simm.s32 $_size_execute0_lowered;
	s4 =	sadd.s32 s4, s6;
	[dreg:$0x0] =	wrdreg $0x0  }
0xa9: {  	s6 =	sshll.u32 s28, $0x1;
	[dreg:$0x2] =	wrdreg s4  }
0xaa: {  	[dreg:$0x3] =	wrdreg s6  }
0xab: {  	[dreg:$0x4] =	wrdreg $0xC0  }
0xac: {  	_ =	task [dreg:s8], $0x5FFFF  }
0xad: {  	[dreg:$0x1] =	wrdreg $0xFFFFFFFF  }
0xae: {  	[dreg:$0x0] =	wrdreg $0x60  }
0xaf: {  	[dreg:$0x2] =	wrdreg s24  }
0xb0: {  	[dreg:$0x3] =	wrdreg s2  }
0xb1: {  	[dreg:$0x4] =	wrdreg s18  }
0xb2: {  	[dreg:$0x5] =	wrdreg $0xA8000  }
0xb3: {  	[dreg:$0x6] =	wrdreg $0x1E1000  }
0xb4: {  	[dreg:$0x7] =	wrdreg $0x9  }
0xb5: {  	_ =	task.clear_ibuf [dreg:s8], $0x8FFFF;
	_ =	strace $0x90000046  }
0xb6: {  	s29 =	simm.s32 $0x9;
	_ =	strace $0x80000048  }
0xb7: {  	_ =	swait.ge [sflag:s29], $0x1  }
0xb8: {  	[sflag:s29] =	ssyncadd.s32 $0xFFFFFFFF  }
0xb9: {  	_ =	strace $0x90000048  }
0xba: {  	_ =	sfence  }
0xbb: {  	s30 =	sld [smem:$0x0];
	_ =	sdelay $0x2  }
0xbc: {  	s31 =	sshll.u32 s1, $0xD;
	s1 =	sshrl.u32 s1, $0x2  }
0xbd: {  	s3 =	sand.u32 $0x4000, s31;
	s1 =	sadd.s32 s1, s30  }
0xbe: {  	s0 =	sor.u32 s3, s0;
	s1 =	sshll.u32 s1, $0x11  }
0xbf: {  	s0 =	sor.u32 s1, s0  }
0xc0: {  	s0 =	sadd.s32 $0x8F2B, s0  }
0xc1: {  	[sflag:s0] =	ssyncadd.remote.s32 $0x1  }
0xc2: {  	_ =	sfence.sel $0xFFFF  }
0xc3: {  	[dreg:$0x0] =	wrdreg $0xFFFFFFFF;
	(pc) =	sbr.abs _section_cstart, $3  }
0xc4: {  	[dreg:$0x1] =	wrdreg $0xFFFFFFFF  }
0xc5: {  	_ =	task.clear_ibuf [dreg:s8], $0x2FFFF;
	_ =	strace $0x9FFFFFFF  }
0xc6: {  	(tm) =	ssettm $0x7FFFFFFF  }
0xc7: {  	_ =	shalt  }
tec
execute0_lowered:
.L_overlay_start_1:
0x0: {  	(tag) =	ssettag $0x1  }
0x1: {  	s11 =	rddreg [dreg:$0x0]  }
0x2: {  	s1 =	rddreg [dreg:$0x1]  }
0x3: {  	s16 =	rddreg [dreg:$0x2]  }
0x4: {  	s2 =	rddreg [dreg:$0x3]  }
0x5: {  	s4 =	rddreg [dreg:$0x4];
	s6 =	srdreg.scid  }
0x6: {  	s5 =	simm.s32 $0x0;
	s3 =	stileid.u32;
	s21 =	simm.s32 $0x2  }
0x7: {  	s22 =	simm.s32 $0x4000;
	s23 =	simm.s32 $0x50;
	s8 =	smul.u32 $0x2700, s3  }
0x8: {  	s28 =	simm.s32 $0x0;
	s12 =	sand.u32 $0x1, s6;
	s15 =	smul.u32 $0x1388, s3  }
0x9: {  	s7 =	sshll.u32 s3, $0xB;
	[smem:$0x7FF] =	sst s5;
	s9 =	smul.u32 $0x4E000, s3  }
0xa: {  	s17 =	sadd.s32 $0x4B200, s11;
	s14 =	smul.u32 $0x13800, s3;
	p0 =	sne.s32 s3, $0xF  }
0xb: {  	p3 =	seq.s32 s3, $0xF;
	s6 =	sshll.u32 s12, $0xF;
	s19 =	smul.u32 $0x138800, s12  }
0xc: {  	_ =	strace $0x80000047;
	s26 =	ssub.s32 $0x2, s12;
	s20 =	smul.u32 $0x2710, s12  }
0xd: {  	p2 =	sgt.u32 @p0 s3, $0x1;
	s6 =	sor.u32 s7, s6;
	s24 =	sadd.s32 s8, s11  }
0xe: {  	s25 =	sshrl.u32 s15, $0x3;
	s29 =	sshrl.u32 s26, $0x1;
	s30 =	sshrl.u32 s9, $0x2  }
0xf: {  	s9 =	sadd.s32 s15, s4;
	p1 =	por p2, !p0;
	p2 =	por !p2, !p0  }
0x10: {  	s13 =	sadd.s32 s6, s11;
	s10 =	sadd.s32 s25, s11;
	s18 =	ssub.s32 s26, s29  }
0x11: {  	s6 =	sadd.s32 s30, s2;
	s7 =	sadd.s32 $0x23A00, s24;
	s11 =	sadd.s32 $0x48300, s11  }
0x12: {  	s14 =	sadd.s32 s14, s19;
	s19 =	sshrl.u32 s19, $0x3;
	s15 =	sadd.s32 s15, s20  }
0x13: {  	s24 =	simm.s32 $0x8000;
	s25 =	simm.s32 $0x1;
	s26 =	simm.s32 $0x1E080  }
0x14: {  	s8 =	sadd.s32 $0x4AC00, s10;
	s10 =	sadd.s32 $0x124800, s2;
	s12 =	sadd.s32 $0x3A00, s13  }
0x15: {  	s13 =	sadd.s32 $0x13A00, s13;
	s14 =	sshrl.u32 s14, $0x3;
	s31 =	sshrl.u32 s15, $0x3  }
0x16: {  	s14 =	sadd.s32 s17, s14;
	s17 =	sadd.s32 s17, s19;
	s16 =	sadd.s32 s16, s31  }
0x17: {  	s19 =	sshll.u32 @p0 s3, $0x6;
	s20 =	sshrl.u32 @!p0 s10, $0x3;
	s15 =	sadd.s32 $0x24900, s17  }
0x18: {  	v0 =	vimm.f32 $1.000000000e+00;
	s17 =	smax.u32 s18, $0x1;
	s18 =	sor.u32 @p0 $0x1C02, s19;
	s19 =	sshrl.u32 @p0 s6, $0x3  }
.LBB2_1:
0x19: {  	[spmem:s19], [sflag:s18] =	dma.local @p0 [hbm:s7], $0x2700  }
0x1a: {  	s29 =	simm.s32 @p0 $0x2  }
0x1b: {  	_ =	swait.ge @p0 [sflag:s29], $0x2700  }
0x1c: {  	[sflag:s29] =	ssyncset.done @p0 $0x0  }
0x1d: {  	s30 =	simm.s32 @!p1 $0x1E378;
	[sflag:s29] =	ssyncadd.s32 @p0 $0xFFFFD900;
	s29 =	simm.s32 @!p1 $0x0  }
0x1e: {  	[tilespmem:s30], [sflag:$0x2] =	stream.linear.gather @!p1 [hbm4b:s8+s29], $0x1388, $0x38;
	[tilespmem:$0x1F778] =	vst v63  }
0x1f: {  	s29 =	simm.s32 @!p1 $0x2  }
0x20: {  	_ =	swait.ge @!p1 [sflag:s29], $0x1388  }
0x21: {  	[sflag:s29] =	ssyncset.done @!p1 $0x0  }
0x22: {  	[sflag:s29] =	ssyncadd.s32 @!p1 $0xFFFFEC78  }
0x23: {  	[spmem:s9] =	stream.linear.scatter @!p1 [tilespmem:s30], [sflag:$0x2], $0x1388, $0x38;
	[tilespmem:$0x1F778] =	vst v63  }
0x24: {  	_ =	swait.ge @!p1 [sflag:s29], $0x1388  }
0x25: {  	[sflag:s29] =	ssyncset.done @!p1 $0x0  }
0x26: {  	[sflag:s29] =	ssyncadd.s32 @!p1 $0xFFFFEC78;
	s29 =	simm.s32 @!p0 $0x1FC2  }
0x27: {  	[spmem:s20], [sflag:s29] =	dma.local @!p0 [hbm:s11], $0x2800  }
0x28: {  	s29 =	simm.s32 @!p0 $0x2  }
0x29: {  	_ =	swait.ge @!p0 [sflag:s29], $0x2800  }
0x2a: {  	[sflag:s29] =	ssyncset.done @!p0 $0x0  }
0x2b: {  	[sflag:s29] =	ssyncadd.s32 @!p0 $0xFFFFD800  }
0x2c: {  	[tilespmem:$0x1E080] =	vst v0  }
0x2d: {  	[tilespmem:$0x1E090] =	vst v0  }
0x2e: {  	[tilespmem:$0x1E0A0] =	vst v0  }
0x2f: {  	[tilespmem:$0x1E0B0] =	vst v0  }
0x30: {  	[tilespmem:$0x1E0C0] =	vst v0  }
0x31: {  	[tilespmem:s5], [sflag:$0x2] =	stream.linear.gather [hbm4b:s12+s5], $0x3E80, $0x38;
	[tilespmem:$0x1F778] =	vst v63  }
0x32: {  	_ =	swait.ge [sflag:s21], $0x3E80  }
0x33: {  	[sflag:s21] =	ssyncset.done $0x0  }
0x34: {  	[sflag:s21] =	ssyncadd.s32 $0xFFFFC180  }
0x35: {  	[tilespmem:s22], [sflag:$0x2] =	stream.linear.gather [hbm4b:s13+s5], $0x3E80, $0x38;
	[tilespmem:$0x1F778] =	vst v63  }
0x36: {  	_ =	swait.ge [sflag:s21], $0x3E80  }
0x37: {  	[sflag:s21] =	ssyncset.done $0x0  }
0x38: {  	[sflag:s21] =	ssyncadd.s32 $0xFFFFC180  }
0x39: {  	s29 =	simm.s32 $0x0;
	[bflag:$0x0] =	sbarrier.arrive $0xFFFF  }
0x3a: {  	[tilespmem:s24], [sflag:$0x1] =	stream.indirect.gather [hbm4b:s1+s23], $0x80, s29, s23, $0xb8;
	[tilespmem:$0x1F778] =	vst v63  }
0x3b: {  	_ =	swait.ge [sflag:s25], $0x2800  }
0x3c: {  	[sflag:s25] =	ssyncset.done $0x0  }
0x3d: {  	s29 =	simm.s32 $0x4000;
	[sflag:s25] =	ssyncadd.s32 $0xFFFFD800  }
0x3e: {  	[spmem:s2] =	stream.indirect.scatter.add.f32 [tilespmem:s24], [sflag:$0x2], $0x80, s29, s23, $0xb8;
	[tilespmem:$0x1F778] =	vst v63  }
0x3f: {  	_ =	swait.ge [sflag:s21], $0x2800  }
0x40: {  	p5 =	por @p0 $0x0, $0x0;
	p4 =	por @!p1 $0x1, $0x1;
	[sflag:s21] =	ssyncset.done $0x0  }
0x41: {  	p4 =	por @!p2 p5, p5;
	p5 =	por @!p0 $0x0, $0x0;
	[sflag:s21] =	ssyncadd.s32 $0xFFFFD800  }
0x42: {  	[spmem:s4] =	stream.indirect.scatter.add.f32 [tilespmem:s26], [sflag:$0x2], $0x1, s29, s23, $0xb8;
	[tilespmem:$0x1F778] =	vst v63  }
0x43: {  	p4 =	por @!p0 p5, p5;
	_ =	swait.ge [sflag:s21], $0x50  }
0x44: {  	s30 =	simm.s32 $0x400;
	s29 =	simm.s32 $0x200;
	[sflag:s21] =	ssyncset.done $0x0  }
.LBB2_2:
0x45: {  	s31 =	sshra.s32 s29, $0x2  }
0x46: {  	[sflag:s21] =	ssyncadd.s32 $0xFFFFFFB0;
	s29 =	smov.u32 s30;
	s0 =	sadd.s32 $0x200, s30  }
0x47: {  	[tilespmem:s24], [sflag:$0x1] =	stream.indirect.gather [hbm4b:s1+s23], $0x80, s31, s23, $0xb8;
	[tilespmem:$0x1F778] =	vst v63  }
0x48: {  	p5 =	sne.s32 s30, $0xF800;
	_ =	swait.ge [sflag:s25], $0x2800  }
0x49: {  	[sflag:s25] =	ssyncset.done $0x0  }
0x4a: {  	s30 =	sadd.s32 $0x4000, s31;
	[sflag:s25] =	ssyncadd.s32 $0xFFFFD800  }
0x4b: {  	[spmem:s2] =	stream.indirect.scatter.add.f32 [tilespmem:s24], [sflag:$0x2], $0x80, s30, s23, $0xb8;
	[tilespmem:$0x1F778] =	vst v63  }
0x4c: {  	_ =	swait.ge [sflag:s21], $0x2800  }
.Ltmp0:
0x4d: {  	[sflag:s21] =	ssyncset.done $0x0;
	(pc) =	sbr.rel @p5 .LBB2_2-.Ltmp0, $4  }
0x4e: {  	[sflag:s21] =	ssyncadd.s32 $0xFFFFD800  }
0x4f: {  	[spmem:s4] =	stream.indirect.scatter.add.f32 [tilespmem:s26], [sflag:$0x2], $0x1, s30, s23, $0xb8;
	[tilespmem:$0x1F778] =	vst v63  }
0x50: {  	_ =	swait.ge [sflag:s21], $0x50  }
0x51: {  	s30 =	smov.u32 s0;
	[sflag:s21] =	ssyncset.done $0x0  }
0x52: {  	s0 =	sshra.s32 s29, $0x2;
	[sflag:s21] =	ssyncadd.s32 $0xFFFFFFB0  }
0x53: {  	[tilespmem:s24], [sflag:$0x1] =	stream.indirect.gather [hbm4b:s1+s23], $0x80, s0, s23, $0xb8;
	[tilespmem:$0x1F778] =	vst v63  }
0x54: {  	_ =	swait.ge [sflag:s25], $0x2800  }
0x55: {  	[sflag:s25] =	ssyncset.done $0x0  }
0x56: {  	s0 =	sadd.s32 $0x4000, s0;
	[sflag:s25] =	ssyncadd.s32 $0xFFFFD800  }
0x57: {  	[spmem:s2] =	stream.indirect.scatter.add.f32 [tilespmem:s24], [sflag:$0x2], $0x80, s0, s23, $0xb8;
	[tilespmem:$0x1F778] =	vst v63  }
0x58: {  	_ =	swait.ge [sflag:s21], $0x2800  }
0x59: {  	[sflag:s21] =	ssyncset.done $0x0  }
0x5a: {  	[sflag:s21] =	ssyncadd.s32 $0xFFFFD800  }
0x5b: {  	[spmem:s4] =	stream.indirect.scatter.add.f32 [tilespmem:s26], [sflag:$0x2], $0x1, s0, s23, $0xb8;
	[tilespmem:$0x1F778] =	vst v63  }
0x5c: {  	_ =	swait.ge [sflag:s21], $0x50  }
0x5d: {  	[sflag:s21] =	ssyncset.done $0x0  }
0x5e: {  	[sflag:s21] =	ssyncadd.s32 $0xFFFFFFB0  }
0x5f: {  	s29 =	simm.s32 @p3 $0x1FC2;
	s0 =	sshrl.u32 @p3 s10, $0x3;
	[bflag:$0x0] =	sbarrier.arrive $0xFFFF  }
0x60: {  	[hbm:s15], [sflag:s29] =	dma.local @p3 [spmem:s0], $0x2800  }
0x61: {  	s0 =	simm.s32 @p3 $0x2  }
0x62: {  	_ =	swait.ge @p3 [sflag:s0], $0x2800  }
0x63: {  	s29 =	sshll.u32 @!p3 s3, $0x6;
	[sflag:s0] =	ssyncset.done @p3 $0x0  }
0x64: {  	[sflag:s0] =	ssyncadd.s32 @p3 $0xFFFFD800;
	s0 =	sor.u32 @!p3 $0x1C02, s29;
	s29 =	sshrl.u32 @!p3 s6, $0x3  }
0x65: {  	[hbm:s14], [sflag:s0] =	dma.local @!p3 [spmem:s29], $0x2700  }
0x66: {  	s0 =	simm.s32 @!p3 $0x2  }
0x67: {  	_ =	swait.ge @!p3 [sflag:s0], $0x2700  }
0x68: {  	[sflag:s0] =	ssyncset.done @!p3 $0x0  }
0x69: {  	s29 =	simm.s32 @p4 $0x2;
	[sflag:s0] =	ssyncadd.s32 @!p3 $0xFFFFD900;
	s0 =	simm.s32 @p4 $0x1E378  }
0x6a: {  	[tilespmem:s0], [sflag:$0x2] =	stream.linear.gather @p4 [spmem:s9], $0x1388, $0x38;
	[tilespmem:$0x1F778] =	vst v63  }
0x6b: {  	s28 =	sadd.s32 $0x1, s28;
	_ =	swait.ge @p4 [sflag:s29], $0x1388  }
0x6c: {  	p5 =	sne.s32 s28, s17;
	[sflag:s29] =	ssyncset.done @p4 $0x0  }
.Ltmp1:
0x6d: {  	s30 =	simm.s32 @p4 $0x0;
	[sflag:s29] =	ssyncadd.s32 @p4 $0xFFFFEC78;
	(pc) =	sbr.rel @p5 .LBB2_1-.Ltmp1, $4  }
0x6e: {  	[hbm4b:s16+s30] =	stream.linear.scatter @p4 [tilespmem:s0], [sflag:$0x2], $0x1388, $0x38;
	[tilespmem:$0x1F778] =	vst v63  }
0x6f: {  	_ =	swait.ge @p4 [sflag:s29], $0x1388  }
0x70: {  	[sflag:s29] =	ssyncset.done @p4 $0x0  }
0x71: {  	[sflag:s29] =	ssyncadd.s32 @p4 $0xFFFFEC78  }
0x72: {  	_ =	sfence.sel $0x180000  }
0x73: {  	[bflag:$0x0] =	sbarrier.arrive $0xFFFF  }
0x74: {  	_ =	strace $0x90000047  }
0x75: {  	[bflag:$0x2] =	sbarrier.arrive $0xFFFF  }
0x76: {  	p0 =	sne.s32 s3, $0x0;
	s0 =	rddreg [dreg:$0x5]  }
0x77: {  	s0 =	sadd.s32 @!p0 $0x100000, s0  }
0x78: {  	[sflag:s0] =	ssyncadd.tile.s32 @!p0 $0x1;
	_ =	shalt  }
.Lfunc_end2:
_tile_overlayer_lowered:
.L_overlay_start_2:
0x79: {  	(tag) =	ssettag $0x2  }
0x7a: {  	s0 =	rddreg [dreg:$0x0];
	s2 =	stileid.u32  }
0x7b: {  	s1 =	rddreg [dreg:$0x1];
	p0 =	sne.s32 s2, $0x0  }
0x7c: {  	s3 =	rddreg [dreg:$0x2];
	[bflag:$0x3] =	sbarrier.arrive $0xFFFF;
	s2 =	simm.s32 @!p0 $0x1C02  }
0x7d: {  	[timem:s3], [sflag:s2] =	dma.local @!p0 [hbm:s0], s1  }
0x7e: {  	s0 =	simm.s32 @!p0 $0x2  }
0x7f: {  	_ =	swait.ge @!p0 [sflag:s0], s1  }
0x80: {  	s1 =	ssub.s32 @!p0 $0x0, s1;
	[sflag:s0] =	ssyncset.done @!p0 $0x0  }
0x81: {  	[sflag:s0] =	ssyncadd.s32 @!p0 s1  }
0x82: {  	[bflag:$0x3] =	sbarrier.arrive $0xFFFF  }
0x83: {  	_ =	shalt  }

</sc_bundles>
